<compile_context>
chip_gen: v7x
topology: tpu7x:2x2x1
jax: 0.10.2.dev20260603
libtpu: 0.0.44.dev20260713+nightly
codegen_flags: <defaults>
</compile_context>

<pallas_src>
import functools

import jax
import jax.numpy as jnp
from jax import lax
from jax.experimental import pallas as pl
from jax.experimental.pallas import tpu as pltpu
from jax.experimental.pallas import tpu_sc as plsc

N = 8 * 224 * 224
C = 96
OC = 48
NW = 32
RPW = N // NW
CR = 224
NITER = RPW // CR

_mesh = plsc.VectorSubcoreMesh(core_axis_name="c", subcore_axis_name="s")


@functools.partial(
    pl.kernel,
    mesh=_mesh,
    out_type=jax.ShapeDtypeStruct((N, OC), jnp.float32),
    scratch_types=[
        pltpu.VMEM((CR, C), jnp.float32),
        pltpu.VMEM((CR, C), jnp.float32),
        pltpu.VMEM((CR, OC), jnp.float32),
        pltpu.VMEM((CR, OC), jnp.float32),
        pltpu.SemaphoreType.DMA,
        pltpu.SemaphoreType.DMA,
        pltpu.SemaphoreType.DMA,
        pltpu.SemaphoreType.DMA,
    ],
    compiler_params=pltpu.CompilerParams(needs_layout_passes=False),
)
def _sel(in_hbm, out_hbm, in0, in1, out0, out1, si0, si1, so0, so1):
    wid = lax.axis_index("s") * 2 + lax.axis_index("c")
    base = wid * RPW
    lanes = lax.iota(jnp.int32, 16)
    lanes2 = lanes * 2

    def in_cp(i, buf, sem):
        row = pl.multiple_of(base + i * CR, 8)
        return pltpu.make_async_copy(in_hbm.at[pl.ds(row, CR), :], buf, sem)

    def out_cp(i, buf, sem):
        row = pl.multiple_of(base + i * CR, 8)
        return pltpu.make_async_copy(buf, out_hbm.at[pl.ds(row, CR), :], sem)

    def compute(src, dst):
        @plsc.parallel_loop(0, CR, unroll=4)
        def _(r):
            rows = jnp.full((16,), r, jnp.int32)
            for k in range(OC // 16):
                dst[r, pl.ds(k * 16, 16)] = plsc.load_gather(
                    src, [rows, k * 32 + lanes2]
                )

    in_cp(0, in0, si0).start()

    def body(g, carry):
        i0 = g * 2
        i1 = i0 + 1

        in_cp(i0, in0, si0).wait()
        in_cp(i1, in1, si1).start()

        @pl.when(g > 0)
        def _():
            out_cp(i0 - 2, out0, so0).wait()

        compute(in0, out0)
        out_cp(i0, out0, so0).start()

        in_cp(i1, in1, si1).wait()

        @pl.when(g < NITER // 2 - 1)
        def _():
            in_cp(i0 + 2, in0, si0).start()

        @pl.when(g > 0)
        def _():
            out_cp(i1 - 2, out1, so1).wait()

        compute(in1, out1)
        out_cp(i1, out1, so1).start()
        return carry

    lax.fori_loop(0, NITER // 2, body, 0)
    out_cp(NITER - 2, out0, so0).wait()
    out_cp(NITER - 1, out1, so1).wait()


def kernel(inputs):
    mat = inputs.reshape(N, C)
    out = _sel(mat)
    return out.reshape(8, 224, 224, 48)

# --- scband reference (transcript-rebuilt; emitter-appended) ---
"""Pipeline reference for scband-pattern-sel-83313775608077 (READ-ONLY COPY).

The authoritative reference and input builder live on the scoring server;
editing this copy changes nothing except your own understanding.
"""

import jax, jax.numpy as jnp
import numpy as np

PATTERN = jnp.array([0, 2, 4, 6, 8, 10, 12, 14, 16, 18, 20, 22, 24, 26, 28, 30, 32, 34, 36, 38, 40, 42, 44, 46, 48, 50, 52, 54, 56, 58, 60, 62, 64, 66, 68, 70, 72, 74, 76, 78, 80, 82, 84, 86, 88, 90, 92, 94], dtype=jnp.int32)

def setup_inputs(seed: int = 0) -> dict:
    key = jax.random.key(seed)
    inputs = jax.random.normal(key, (8, 224, 224, 96), dtype=jnp.float32)
    return {"inputs": inputs}

def reference(inputs):
    # tf.gather(inputs, indices=pattern, axis=3)
    return jnp.take(inputs, PATTERN, axis=3)

if __name__ == "__main__":
    import jax
    _d = setup_inputs()
    print(jax.jit(kernel)(*tuple(_d.values())))

</pallas_src>

<mosaic_0001>
#map = affine_map<(d0, d1) -> (0, 0)>
module attributes {stable_mosaic.version = 14 : i64} {
  func.func @_sel(%arg0: i32, %arg1: i32, %arg2: memref<401408x96xf32, #tpu.memory_space<hbm>>, %arg3: memref<401408x48xf32, #tpu.memory_space<hbm>>, %arg4: memref<224x96xf32, #tpu.memory_space<vmem>>, %arg5: memref<224x96xf32, #tpu.memory_space<vmem>>, %arg6: memref<224x48xf32, #tpu.memory_space<vmem>>, %arg7: memref<224x48xf32, #tpu.memory_space<vmem>>, %arg8: memref<!tpu.dma_semaphore, #tpu.memory_space<semaphore_mem>>, %arg9: memref<!tpu.dma_semaphore, #tpu.memory_space<semaphore_mem>>, %arg10: memref<!tpu.dma_semaphore, #tpu.memory_space<semaphore_mem>>, %arg11: memref<!tpu.dma_semaphore, #tpu.memory_space<semaphore_mem>>) attributes {dimension_semantics = [#tpu.dimension_semantics<core_parallel>, #tpu.dimension_semantics<subcore_parallel>], iteration_bounds = array<i64: 2, 16>, scalar_prefetch = 0 : i64, scratch_operands = 8 : i64, tpu.core_type = #tpu.core_type<sc_vector_subcore>, window_params = [{transform_indices = #map}, {transform_indices = #map}]} {
    %mul3A = arith.constant 2 : i32
    %mul3A_0 = arith.muli %arg1, %mul3A : i32
    %add3A = arith.addi %mul3A_0, %arg0 : i32
    %mul3A_1 = arith.constant 12544 : i32
    %mul3A_2 = arith.muli %add3A, %mul3A_1 : i32
    %iota3A = tpu.iota {dimensions = array<i32: 0>} : vector<16xi32>
    %mul3A_3 = arith.constant 2 : i32
    %mul3A_4 = vector.broadcast %mul3A_3 : i32 to vector<16xi32>
    %mul3A_5 = arith.muli %iota3A, %mul3A_4 : vector<16xi32>
    %add3A_6 = arith.constant 0 : i32
    %add3A_7 = arith.addi %mul3A_2, %add3A_6 : i32
    %multiple_of3A = tpu.assume_multiple %add3A_7, 8 : i32
    %dma_start3A = arith.constant 0 : i32
    %dma_start3A_8 = tpu.memref_slice %arg2[%multiple_of3A, %dma_start3A] : memref<401408x96xf32, #tpu.memory_space<hbm>> -> memref<224x96xf32, #tpu.memory_space<hbm>>
    %dma_start3A_9 = arith.constant 0 : i32
    %dma_start3A_10 = tpu.memref_slice %arg2[%multiple_of3A, %dma_start3A_9] : memref<401408x96xf32, #tpu.memory_space<hbm>> -> memref<224x96xf32, #tpu.memory_space<hbm>>
    tpu.enqueue_dma source(%dma_start3A_10 : memref<224x96xf32, #tpu.memory_space<hbm>>) target(%arg4 : memref<224x96xf32, #tpu.memory_space<vmem>>) target_semaphore(%arg8 : memref<!tpu.dma_semaphore, #tpu.memory_space<semaphore_mem>>)
    %scan3A = arith.constant 0 : i32
    %scan3A_11 = arith.constant 0 : i32
    %scan3A_12 = arith.constant 28 : i32
    %scan3A_13 = arith.addi %scan3A_11, %scan3A_12 : i32
    %scan3A_14 = arith.constant 1 : i32
    scf.for %scan3A_29 = %scan3A_11 to %scan3A_13 step %scan3A_14  : i32 {
      %mul3A_30 = arith.constant 2 : i32
      %mul3A_31 = arith.muli %scan3A_29, %mul3A_30 : i32
      %add3A_32 = arith.constant 1 : i32
      %add3A_33 = arith.addi %mul3A_31, %add3A_32 : i32
      %mul3A_34 = arith.constant 224 : i32
      %mul3A_35 = arith.muli %mul3A_31, %mul3A_34 : i32
      %add3A_36 = arith.addi %mul3A_2, %mul3A_35 : i32
      %multiple_of3A_37 = tpu.assume_multiple %add3A_36, 8 : i32
      %dma_wait3A_38 = arith.constant 0 : i32
      %dma_wait3A_39 = tpu.memref_slice %arg2[%multiple_of3A_37, %dma_wait3A_38] : memref<401408x96xf32, #tpu.memory_space<hbm>> -> memref<224x96xf32, #tpu.memory_space<hbm>>
      %dma_wait3A_40 = arith.constant 0 : i32
      %dma_wait3A_41 = tpu.memref_slice %arg2[%multiple_of3A_37, %dma_wait3A_40] : memref<401408x96xf32, #tpu.memory_space<hbm>> -> memref<224x96xf32, #tpu.memory_space<hbm>>
      tpu.wait_dma2 semaphore(%arg8 : memref<!tpu.dma_semaphore, #tpu.memory_space<semaphore_mem>>) src(%dma_wait3A_41 : memref<224x96xf32, #tpu.memory_space<hbm>>) dst(%arg4 : memref<224x96xf32, #tpu.memory_space<vmem>>)
      %mul3A_42 = arith.constant 224 : i32
      %mul3A_43 = arith.muli %add3A_33, %mul3A_42 : i32
      %add3A_44 = arith.addi %mul3A_2, %mul3A_43 : i32
      %multiple_of3A_45 = tpu.assume_multiple %add3A_44, 8 : i32
      %dma_start3A_46 = arith.constant 0 : i32
      %dma_start3A_47 = tpu.memref_slice %arg2[%multiple_of3A_45, %dma_start3A_46] : memref<401408x96xf32, #tpu.memory_space<hbm>> -> memref<224x96xf32, #tpu.memory_space<hbm>>
      %dma_start3A_48 = arith.constant 0 : i32
      %dma_start3A_49 = tpu.memref_slice %arg2[%multiple_of3A_45, %dma_start3A_48] : memref<401408x96xf32, #tpu.memory_space<hbm>> -> memref<224x96xf32, #tpu.memory_space<hbm>>
      tpu.enqueue_dma source(%dma_start3A_49 : memref<224x96xf32, #tpu.memory_space<hbm>>) target(%arg5 : memref<224x96xf32, #tpu.memory_space<vmem>>) target_semaphore(%arg9 : memref<!tpu.dma_semaphore, #tpu.memory_space<semaphore_mem>>)
      %gt3A = arith.constant 0 : i32
      %gt3A_50 = arith.cmpi sgt, %scan3A_29, %gt3A : i32
      %convert_element_type3A = arith.extui %gt3A_50 : i1 to i32
      %cond3A = arith.constant 0 : i32
      %cond3A_51 = arith.cmpi ne, %convert_element_type3A, %cond3A : i32
      scf.if %cond3A_51 {
        %sub3A = arith.constant 2 : i32
        %sub3A_90 = arith.subi %mul3A_31, %sub3A : i32
        %mul3A_91 = arith.constant 224 : i32
        %mul3A_92 = arith.muli %sub3A_90, %mul3A_91 : i32
        %add3A_93 = arith.addi %mul3A_2, %mul3A_92 : i32
        %multiple_of3A_94 = tpu.assume_multiple %add3A_93, 8 : i32
        %dma_wait3A_95 = arith.constant 0 : i32
        %dma_wait3A_96 = tpu.memref_slice %arg3[%multiple_of3A_94, %dma_wait3A_95] : memref<401408x48xf32, #tpu.memory_space<hbm>> -> memref<224x48xf32, #tpu.memory_space<hbm>>
        %dma_wait3A_97 = arith.constant 0 : i32
        %dma_wait3A_98 = tpu.memref_slice %arg3[%multiple_of3A_94, %dma_wait3A_97] : memref<401408x48xf32, #tpu.memory_space<hbm>> -> memref<224x48xf32, #tpu.memory_space<hbm>>
        tpu.wait_dma2 semaphore(%arg10 : memref<!tpu.dma_semaphore, #tpu.memory_space<semaphore_mem>>) src(%arg6 : memref<224x48xf32, #tpu.memory_space<vmem>>) dst(%dma_wait3A_98 : memref<224x48xf32, #tpu.memory_space<hbm>>)
      } else {
      }
      %parallel_loop3A = arith.constant 0 : i32
      %parallel_loop3A_52 = arith.constant 224 : i32
      %parallel_loop3A_53 = arith.constant 1 : i32
      scf.for %parallel_loop3A_90 = %parallel_loop3A to %parallel_loop3A_52 step %parallel_loop3A_53  : i32 {
        %parallel_loop3A_91 = vector.broadcast %parallel_loop3A_90 : i32 to vector<16xi32>
        %parallel_loop3A_92 = arith.constant 0 : i32
        %parallel_loop3A_93 = vector.broadcast %parallel_loop3A_92 : i32 to vector<16xi32>
        %parallel_loop3A_94 = arith.addi %parallel_loop3A_93, %mul3A_5 : vector<16xi32>
        %parallel_loop3A_95 = tpu.vector_load_idx %arg4[%parallel_loop3A_91, %parallel_loop3A_94] : memref<224x96xf32, #tpu.memory_space<vmem>>[vector<16xi32>, vector<16xi32>], vector<16xf32>,
        %parallel_loop3A_96 = arith.index_cast %parallel_loop3A_90 : i32 to index
        %parallel_loop3A_97 = arith.constant 0 : index
        %parallel_loop3A_98 = tpu.vector_load %arg6[%parallel_loop3A_96, %parallel_loop3A_97] {strides = array<i32>} : memref<224x48xf32, #tpu.memory_space<vmem>>, vector<16xf32>,
        tpu.vector_store %arg6[%parallel_loop3A_96, %parallel_loop3A_97], %parallel_loop3A_95 {strides = array<i32>} : memref<224x48xf32, #tpu.memory_space<vmem>>, vector<16xf32>,
        %parallel_loop3A_99 = arith.constant 32 : i32
        %parallel_loop3A_100 = vector.broadcast %parallel_loop3A_99 : i32 to vector<16xi32>
        %parallel_loop3A_101 = arith.addi %parallel_loop3A_100, %mul3A_5 : vector<16xi32>
        %parallel_loop3A_102 = tpu.vector_load_idx %arg4[%parallel_loop3A_91, %parallel_loop3A_101] : memref<224x96xf32, #tpu.memory_space<vmem>>[vector<16xi32>, vector<16xi32>], vector<16xf32>,
        %parallel_loop3A_103 = arith.index_cast %parallel_loop3A_90 : i32 to index
        %parallel_loop3A_104 = arith.constant 16 : index
        %parallel_loop3A_105 = tpu.vector_load %arg6[%parallel_loop3A_103, %parallel_loop3A_104] {strides = array<i32>} : memref<224x48xf32, #tpu.memory_space<vmem>>, vector<16xf32>,
        tpu.vector_store %arg6[%parallel_loop3A_103, %parallel_loop3A_104], %parallel_loop3A_102 {strides = array<i32>} : memref<224x48xf32, #tpu.memory_space<vmem>>, vector<16xf32>,
        %parallel_loop3A_106 = arith.constant 64 : i32
        %parallel_loop3A_107 = vector.broadcast %parallel_loop3A_106 : i32 to vector<16xi32>
        %parallel_loop3A_108 = arith.addi %parallel_loop3A_107, %mul3A_5 : vector<16xi32>
        %parallel_loop3A_109 = tpu.vector_load_idx %arg4[%parallel_loop3A_91, %parallel_loop3A_108] : memref<224x96xf32, #tpu.memory_space<vmem>>[vector<16xi32>, vector<16xi32>], vector<16xf32>,
        %parallel_loop3A_110 = arith.index_cast %parallel_loop3A_90 : i32 to index
        %parallel_loop3A_111 = arith.constant 32 : index
        %parallel_loop3A_112 = tpu.vector_load %arg6[%parallel_loop3A_110, %parallel_loop3A_111] {strides = array<i32>} : memref<224x48xf32, #tpu.memory_space<vmem>>, vector<16xf32>,
        tpu.vector_store %arg6[%parallel_loop3A_110, %parallel_loop3A_111], %parallel_loop3A_109 {strides = array<i32>} : memref<224x48xf32, #tpu.memory_space<vmem>>, vector<16xf32>,
      } {sc.loop_unroll_factor = 4 : i64, sc.parallel_access}
      %mul3A_54 = arith.constant 224 : i32
      %mul3A_55 = arith.muli %mul3A_31, %mul3A_54 : i32
      %add3A_56 = arith.addi %mul3A_2, %mul3A_55 : i32
      %multiple_of3A_57 = tpu.assume_multiple %add3A_56, 8 : i32
      %dma_start3A_58 = arith.constant 0 : i32
      %dma_start3A_59 = tpu.memref_slice %arg3[%multiple_of3A_57, %dma_start3A_58] : memref<401408x48xf32, #tpu.memory_space<hbm>> -> memref<224x48xf32, #tpu.memory_space<hbm>>
      %dma_start3A_60 = arith.constant 0 : i32
      %dma_start3A_61 = tpu.memref_slice %arg3[%multiple_of3A_57, %dma_start3A_60] : memref<401408x48xf32, #tpu.memory_space<hbm>> -> memref<224x48xf32, #tpu.memory_space<hbm>>
      tpu.enqueue_dma source(%arg6 : memref<224x48xf32, #tpu.memory_space<vmem>>) target(%dma_start3A_61 : memref<224x48xf32, #tpu.memory_space<hbm>>) target_semaphore(%arg10 : memref<!tpu.dma_semaphore, #tpu.memory_space<semaphore_mem>>)
      %mul3A_62 = arith.constant 224 : i32
      %mul3A_63 = arith.muli %add3A_33, %mul3A_62 : i32
      %add3A_64 = arith.addi %mul3A_2, %mul3A_63 : i32
      %multiple_of3A_65 = tpu.assume_multiple %add3A_64, 8 : i32
      %dma_wait3A_66 = arith.constant 0 : i32
      %dma_wait3A_67 = tpu.memref_slice %arg2[%multiple_of3A_65, %dma_wait3A_66] : memref<401408x96xf32, #tpu.memory_space<hbm>> -> memref<224x96xf32, #tpu.memory_space<hbm>>
      %dma_wait3A_68 = arith.constant 0 : i32
      %dma_wait3A_69 = tpu.memref_slice %arg2[%multiple_of3A_65, %dma_wait3A_68] : memref<401408x96xf32, #tpu.memory_space<hbm>> -> memref<224x96xf32, #tpu.memory_space<hbm>>
      tpu.wait_dma2 semaphore(%arg9 : memref<!tpu.dma_semaphore, #tpu.memory_space<semaphore_mem>>) src(%dma_wait3A_69 : memref<224x96xf32, #tpu.memory_space<hbm>>) dst(%arg5 : memref<224x96xf32, #tpu.memory_space<vmem>>)
      %lt3A = arith.constant 27 : i32
      %lt3A_70 = arith.cmpi slt, %scan3A_29, %lt3A : i32
      %convert_element_type3A_71 = arith.extui %lt3A_70 : i1 to i32
      %cond3A_72 = arith.constant 0 : i32
      %cond3A_73 = arith.cmpi ne, %convert_element_type3A_71, %cond3A_72 : i32
      scf.if %cond3A_73 {
        %add3A_90 = arith.constant 2 : i32
        %add3A_91 = arith.addi %mul3A_31, %add3A_90 : i32
        %mul3A_92 = arith.constant 224 : i32
        %mul3A_93 = arith.muli %add3A_91, %mul3A_92 : i32
        %add3A_94 = arith.addi %mul3A_2, %mul3A_93 : i32
        %multiple_of3A_95 = tpu.assume_multiple %add3A_94, 8 : i32
        %dma_start3A_96 = arith.constant 0 : i32
        %dma_start3A_97 = tpu.memref_slice %arg2[%multiple_of3A_95, %dma_start3A_96] : memref<401408x96xf32, #tpu.memory_space<hbm>> -> memref<224x96xf32, #tpu.memory_space<hbm>>
        %dma_start3A_98 = arith.constant 0 : i32
        %dma_start3A_99 = tpu.memref_slice %arg2[%multiple_of3A_95, %dma_start3A_98] : memref<401408x96xf32, #tpu.memory_space<hbm>> -> memref<224x96xf32, #tpu.memory_space<hbm>>
        tpu.enqueue_dma source(%dma_start3A_99 : memref<224x96xf32, #tpu.memory_space<hbm>>) target(%arg4 : memref<224x96xf32, #tpu.memory_space<vmem>>) target_semaphore(%arg8 : memref<!tpu.dma_semaphore, #tpu.memory_space<semaphore_mem>>)
      } else {
      }
      %gt3A_74 = arith.constant 0 : i32
      %gt3A_75 = arith.cmpi sgt, %scan3A_29, %gt3A_74 : i32
      %convert_element_type3A_76 = arith.extui %gt3A_75 : i1 to i32
      %cond3A_77 = arith.constant 0 : i32
      %cond3A_78 = arith.cmpi ne, %convert_element_type3A_76, %cond3A_77 : i32
      scf.if %cond3A_78 {
        %sub3A = arith.constant 2 : i32
        %sub3A_90 = arith.subi %add3A_33, %sub3A : i32
        %mul3A_91 = arith.constant 224 : i32
        %mul3A_92 = arith.muli %sub3A_90, %mul3A_91 : i32
        %add3A_93 = arith.addi %mul3A_2, %mul3A_92 : i32
        %multiple_of3A_94 = tpu.assume_multiple %add3A_93, 8 : i32
        %dma_wait3A_95 = arith.constant 0 : i32
        %dma_wait3A_96 = tpu.memref_slice %arg3[%multiple_of3A_94, %dma_wait3A_95] : memref<401408x48xf32, #tpu.memory_space<hbm>> -> memref<224x48xf32, #tpu.memory_space<hbm>>
        %dma_wait3A_97 = arith.constant 0 : i32
        %dma_wait3A_98 = tpu.memref_slice %arg3[%multiple_of3A_94, %dma_wait3A_97] : memref<401408x48xf32, #tpu.memory_space<hbm>> -> memref<224x48xf32, #tpu.memory_space<hbm>>
        tpu.wait_dma2 semaphore(%arg11 : memref<!tpu.dma_semaphore, #tpu.memory_space<semaphore_mem>>) src(%arg7 : memref<224x48xf32, #tpu.memory_space<vmem>>) dst(%dma_wait3A_98 : memref<224x48xf32, #tpu.memory_space<hbm>>)
      } else {
      }
      %parallel_loop3A_79 = arith.constant 0 : i32
      %parallel_loop3A_80 = arith.constant 224 : i32
      %parallel_loop3A_81 = arith.constant 1 : i32
      scf.for %parallel_loop3A_90 = %parallel_loop3A_79 to %parallel_loop3A_80 step %parallel_loop3A_81  : i32 {
        %parallel_loop3A_91 = vector.broadcast %parallel_loop3A_90 : i32 to vector<16xi32>
        %parallel_loop3A_92 = arith.constant 0 : i32
        %parallel_loop3A_93 = vector.broadcast %parallel_loop3A_92 : i32 to vector<16xi32>
        %parallel_loop3A_94 = arith.addi %parallel_loop3A_93, %mul3A_5 : vector<16xi32>
        %parallel_loop3A_95 = tpu.vector_load_idx %arg5[%parallel_loop3A_91, %parallel_loop3A_94] : memref<224x96xf32, #tpu.memory_space<vmem>>[vector<16xi32>, vector<16xi32>], vector<16xf32>,
        %parallel_loop3A_96 = arith.index_cast %parallel_loop3A_90 : i32 to index
        %parallel_loop3A_97 = arith.constant 0 : index
        %parallel_loop3A_98 = tpu.vector_load %arg7[%parallel_loop3A_96, %parallel_loop3A_97] {strides = array<i32>} : memref<224x48xf32, #tpu.memory_space<vmem>>, vector<16xf32>,
        tpu.vector_store %arg7[%parallel_loop3A_96, %parallel_loop3A_97], %parallel_loop3A_95 {strides = array<i32>} : memref<224x48xf32, #tpu.memory_space<vmem>>, vector<16xf32>,
        %parallel_loop3A_99 = arith.constant 32 : i32
        %parallel_loop3A_100 = vector.broadcast %parallel_loop3A_99 : i32 to vector<16xi32>
        %parallel_loop3A_101 = arith.addi %parallel_loop3A_100, %mul3A_5 : vector<16xi32>
        %parallel_loop3A_102 = tpu.vector_load_idx %arg5[%parallel_loop3A_91, %parallel_loop3A_101] : memref<224x96xf32, #tpu.memory_space<vmem>>[vector<16xi32>, vector<16xi32>], vector<16xf32>,
        %parallel_loop3A_103 = arith.index_cast %parallel_loop3A_90 : i32 to index
        %parallel_loop3A_104 = arith.constant 16 : index
        %parallel_loop3A_105 = tpu.vector_load %arg7[%parallel_loop3A_103, %parallel_loop3A_104] {strides = array<i32>} : memref<224x48xf32, #tpu.memory_space<vmem>>, vector<16xf32>,
        tpu.vector_store %arg7[%parallel_loop3A_103, %parallel_loop3A_104], %parallel_loop3A_102 {strides = array<i32>} : memref<224x48xf32, #tpu.memory_space<vmem>>, vector<16xf32>,
        %parallel_loop3A_106 = arith.constant 64 : i32
        %parallel_loop3A_107 = vector.broadcast %parallel_loop3A_106 : i32 to vector<16xi32>
        %parallel_loop3A_108 = arith.addi %parallel_loop3A_107, %mul3A_5 : vector<16xi32>
        %parallel_loop3A_109 = tpu.vector_load_idx %arg5[%parallel_loop3A_91, %parallel_loop3A_108] : memref<224x96xf32, #tpu.memory_space<vmem>>[vector<16xi32>, vector<16xi32>], vector<16xf32>,
        %parallel_loop3A_110 = arith.index_cast %parallel_loop3A_90 : i32 to index
        %parallel_loop3A_111 = arith.constant 32 : index
        %parallel_loop3A_112 = tpu.vector_load %arg7[%parallel_loop3A_110, %parallel_loop3A_111] {strides = array<i32>} : memref<224x48xf32, #tpu.memory_space<vmem>>, vector<16xf32>,
        tpu.vector_store %arg7[%parallel_loop3A_110, %parallel_loop3A_111], %parallel_loop3A_109 {strides = array<i32>} : memref<224x48xf32, #tpu.memory_space<vmem>>, vector<16xf32>,
      } {sc.loop_unroll_factor = 4 : i64, sc.parallel_access}
      %mul3A_82 = arith.constant 224 : i32
      %mul3A_83 = arith.muli %add3A_33, %mul3A_82 : i32
      %add3A_84 = arith.addi %mul3A_2, %mul3A_83 : i32
      %multiple_of3A_85 = tpu.assume_multiple %add3A_84, 8 : i32
      %dma_start3A_86 = arith.constant 0 : i32
      %dma_start3A_87 = tpu.memref_slice %arg3[%multiple_of3A_85, %dma_start3A_86] : memref<401408x48xf32, #tpu.memory_space<hbm>> -> memref<224x48xf32, #tpu.memory_space<hbm>>
      %dma_start3A_88 = arith.constant 0 : i32
      %dma_start3A_89 = tpu.memref_slice %arg3[%multiple_of3A_85, %dma_start3A_88] : memref<401408x48xf32, #tpu.memory_space<hbm>> -> memref<224x48xf32, #tpu.memory_space<hbm>>
      tpu.enqueue_dma source(%arg7 : memref<224x48xf32, #tpu.memory_space<vmem>>) target(%dma_start3A_89 : memref<224x48xf32, #tpu.memory_space<hbm>>) target_semaphore(%arg11 : memref<!tpu.dma_semaphore, #tpu.memory_space<semaphore_mem>>)
    }
    %scan3A_15 = arith.constant 28 : i32
    %add3A_16 = arith.constant 12096 : i32
    %add3A_17 = arith.addi %mul3A_2, %add3A_16 : i32
    %multiple_of3A_18 = tpu.assume_multiple %add3A_17, 8 : i32
    %dma_wait3A = arith.constant 0 : i32
    %dma_wait3A_19 = tpu.memref_slice %arg3[%multiple_of3A_18, %dma_wait3A] : memref<401408x48xf32, #tpu.memory_space<hbm>> -> memref<224x48xf32, #tpu.memory_space<hbm>>
    %dma_wait3A_20 = arith.constant 0 : i32
    %dma_wait3A_21 = tpu.memref_slice %arg3[%multiple_of3A_18, %dma_wait3A_20] : memref<401408x48xf32, #tpu.memory_space<hbm>> -> memref<224x48xf32, #tpu.memory_space<hbm>>
    tpu.wait_dma2 semaphore(%arg10 : memref<!tpu.dma_semaphore, #tpu.memory_space<semaphore_mem>>) src(%arg6 : memref<224x48xf32, #tpu.memory_space<vmem>>) dst(%dma_wait3A_21 : memref<224x48xf32, #tpu.memory_space<hbm>>)
    %add3A_22 = arith.constant 12320 : i32
    %add3A_23 = arith.addi %mul3A_2, %add3A_22 : i32
    %multiple_of3A_24 = tpu.assume_multiple %add3A_23, 8 : i32
    %dma_wait3A_25 = arith.constant 0 : i32
    %dma_wait3A_26 = tpu.memref_slice %arg3[%multiple_of3A_24, %dma_wait3A_25] : memref<401408x48xf32, #tpu.memory_space<hbm>> -> memref<224x48xf32, #tpu.memory_space<hbm>>
    %dma_wait3A_27 = arith.constant 0 : i32
    %dma_wait3A_28 = tpu.memref_slice %arg3[%multiple_of3A_24, %dma_wait3A_27] : memref<401408x48xf32, #tpu.memory_space<hbm>> -> memref<224x48xf32, #tpu.memory_space<hbm>>
    tpu.wait_dma2 semaphore(%arg11 : memref<!tpu.dma_semaphore, #tpu.memory_space<semaphore_mem>>) src(%arg7 : memref<224x48xf32, #tpu.memory_space<vmem>>) dst(%dma_wait3A_28 : memref<224x48xf32, #tpu.memory_space<hbm>>)
    return
  }
}

</mosaic_0001>

<sc_bundles>
// kernel: kernel.3.cloned.1.call-start
scs
__scs_entry_jumppad:
0x0: {  	(pc) =	sbr.rel $0x88, $3  }
0x1: {  	(tag) =	ssettag $0x0;
	lr =	simm.s32 $0x1  }
0x2: {  	[smem:$0x3FA0] =	sst lr;
	_ =	strace $0xD0000000  }
0x3: {  	_ = 	snop  }
0x4: {  	_ = 	snop  }
0x5: {  	_ = 	snop  }
0x6: {  	_ = 	snop  }
0x7: {  	_ = 	snop  }
__scs_overlays_trampoline_lowered:
0x8: {  	[smem:$0x3FAF] =	sst s0  }
0x9: {  	[smem:$0x3FB0] =	sst s1  }
0xa: {  	[smem:$0x3FB1] =	sst s2  }
0xb: {  	[smem:$0x3FB2] =	sst s3  }
0xc: {  	[smem:$0x3FB3] =	sst s4  }
0xd: {  	[smem:$0x3FB4] =	sst s5  }
0xe: {  	[smem:$0x3FB5] =	sst s6  }
0xf: {  	[smem:$0x3FB6] =	sst s7  }
0x10: {  	[smem:$0x3FB7] =	sst s8  }
0x11: {  	[smem:$0x3FB8] =	sst s9;
	s0 =	simm.s32 @!p0 $0x0  }
0x12: {  	s1 =	sld [smem:$0x3F9E];
	s0 =	simm.s32 @p0 $0x1  }
0x13: {  	[smem:$0x3FB9] =	sst s0;
	s0 =	simm.s32 @!p1 $0x0  }
0x14: {  	s2 =	sld [smem:$0x3F9D];
	s0 =	simm.s32 @p1 $0x1  }
0x15: {  	[smem:$0x3FBA] =	sst s0;
	s0 =	simm.s32 @!p2 $0x0  }
0x16: {  	s3 =	sld [smem:$0x3FDB];
	s0 =	simm.s32 @p2 $0x1  }
0x17: {  	s4 =	simm.s32 $0x1BF5;
	[smem:$0x3FBC] =	sst s0  }
0x18: {  	s0 =	sld [smem:$0x3F9F];
	_ =	swait.ge [sflag:s4], $0x0  }
0x19: {  	s7 =	sld [smem:$0x3FA0]  }
0x1a: {  	s8 =	sadd.s32 $0xFFFFE003, lr  }
0x1b: {  	s9 =	sadd.s32 $0xFFFFFEF7, lr;
	s5 =	simm.s32 $0xFFFFFFFF;
	p2 =	slt.u32 s8, $0xFFFFF086  }
0x1c: {  	p1 =	slt.u32 s9, $0xF7A;
	s5 =	simm.s32 @!p2 $0x0  }
0x1d: {  	s5 =	simm.s32 @p1 $0x1;
	p0 =	seq.s32 s7, s2  }
0x1e: {  	s7 =	smul.u32 @!p0 $0xF7A, s2;
	p2 =	seq.s32 @!p0 s5, $0x0  }
0x1f: {  	s9 =	smul.u32 $0xF7A, s1;
	s8 =	simm.s32 @!p0 $0x1BF5;
	p2 =	por !p2, p0  }
0x20: {  	[sflag:s8] =	ssyncset.s32 @!p0 $0xFFFFF086;
	s6 =	sadd.s32 @!p0 s3, s7;
	s7 =	simm.s32 @!p0 $0x108  }
0x21: {  	s3 =	sadd.s32 s3, s9;
	s6 =	sadd.s32 @!p0 $0x88, s6;
	s7 =	simm.s32 @p2 $0x1082  }
0x22: {  	[simem:s7], [sflag:s8] =	dma.local @!p0 [hbm:s6], $0xF7A  }
0x23: {  	s9 =	sor.u32 $0xD0000000, s2;
	s6 =	simm.s32 $0x108;
	_ =	swait.ge @!p0 [sflag:s8], $0x0  }
0x24: {  	s3 =	sadd.s32 $0x88, s3;
	s6 =	simm.s32 @!p1 $0x1082;
	[sflag:s4] =	ssyncset.s32 $0xFFFFF086  }
0x25: {  	[simem:s6], [sflag:s4] =	dma.local [hbm:s3], $0xF7A  }
0x26: {  	[smem:$0x3FA0] =	sst s1;
	(tag) =	ssettag s2;
	_ =	strace s9  }
0x27: {  	s1 =	sld [smem:$0x3FB0]  }
0x28: {  	s2 =	sld [smem:$0x3FB1]  }
0x29: {  	s4 =	sld [smem:$0x3FB3]  }
0x2a: {  	p0 =	seq.s32 s5, $0x0;
	s5 =	sld [smem:$0x3FB4]  }
0x2b: {  	s6 =	sld [smem:$0x3FB5]  }
0x2c: {  	s7 =	sld [smem:$0x3FB6]  }
0x2d: {  	s3 =	simm.s32 $0x108;
	s8 =	sld [smem:$0x3FB7]  }
0x2e: {  	s3 =	simm.s32 @!p0 $0x1082;
	s9 =	sld [smem:$0x3FB8]  }
0x2f: {  	lr =	sadd.s32 s0, s3;
	s0 =	sld [smem:$0x3FAF]  }
0x30: {  	s3 =	sld [smem:$0x3FB2]  }
0x31: {  	[smem:$0x3FBB] =	sst s10  }
0x32: {  	s10 =	sld [smem:$0x3FB9];
	_ =	sdelay $0x3  }
0x33: {  	p0 =	seq.s32 s10, $0x1;
	s10 =	sld [smem:$0x3FBB];
	_ =	sdelay $0x3  }
0x34: {  	[smem:$0x3FBB] =	sst s10  }
0x35: {  	s10 =	sld [smem:$0x3FBA];
	_ =	sdelay $0x3  }
0x36: {  	p1 =	seq.s32 s10, $0x1;
	s10 =	sld [smem:$0x3FBB];
	_ =	sdelay $0x3  }
0x37: {  	[smem:$0x3FBB] =	sst s10  }
0x38: {  	s10 =	sld [smem:$0x3FBC]  }
0x39: {  	_ = 	snop;
	(pc) =	sbr.ind lr, $3  }
0x3a: {  	_ = 	snop  }
0x3b: {  	_ = 	snop  }
0x3c: {  	p2 =	seq.s32 s10, $0x1;
	s10 =	sld [smem:$0x3FBB]  }
0x3d: {  	_ =	shalt  }
0x3e: {  	_ =	shalt  }
0x3f: {  	_ =	shalt  }
0x40: {  	_ =	shalt  }
0x41: {  	_ =	shalt  }
0x42: {  	_ =	shalt  }
0x43: {  	_ =	shalt  }
0x44: {  	_ =	shalt  }
0x45: {  	_ =	shalt  }
0x46: {  	_ =	shalt  }
0x47: {  	_ =	shalt  }
0x48: {  	_ =	shalt  }
0x49: {  	_ =	shalt  }
0x4a: {  	_ =	shalt  }
0x4b: {  	_ =	shalt  }
0x4c: {  	_ =	shalt  }
0x4d: {  	_ =	shalt  }
0x4e: {  	_ =	shalt  }
0x4f: {  	_ =	shalt  }
0x50: {  	_ =	shalt  }
0x51: {  	_ =	shalt  }
0x52: {  	_ =	shalt  }
0x53: {  	_ =	shalt  }
0x54: {  	_ =	shalt  }
0x55: {  	_ =	shalt  }
0x56: {  	_ =	shalt  }
0x57: {  	_ =	shalt  }
0x58: {  	_ =	shalt  }
0x59: {  	_ =	shalt  }
0x5a: {  	_ =	shalt  }
0x5b: {  	_ =	shalt  }
0x5c: {  	_ =	shalt  }
0x5d: {  	_ =	shalt  }
0x5e: {  	_ =	shalt  }
0x5f: {  	_ =	shalt  }
0x60: {  	_ =	shalt  }
0x61: {  	_ =	shalt  }
0x62: {  	_ =	shalt  }
0x63: {  	_ =	shalt  }
0x64: {  	_ =	shalt  }
0x65: {  	_ =	shalt  }
0x66: {  	_ =	shalt  }
0x67: {  	_ =	shalt  }
0x68: {  	_ =	shalt  }
0x69: {  	_ =	shalt  }
0x6a: {  	_ =	shalt  }
0x6b: {  	_ =	shalt  }
0x6c: {  	_ =	shalt  }
0x6d: {  	_ =	shalt  }
0x6e: {  	_ =	shalt  }
0x6f: {  	_ =	shalt  }
0x70: {  	_ =	shalt  }
0x71: {  	_ =	shalt  }
0x72: {  	_ =	shalt  }
0x73: {  	_ =	shalt  }
0x74: {  	_ =	shalt  }
0x75: {  	_ =	shalt  }
0x76: {  	_ =	shalt  }
0x77: {  	_ =	shalt  }
0x78: {  	_ =	shalt  }
0x79: {  	_ =	shalt  }
0x7a: {  	_ =	shalt  }
0x7b: {  	_ =	shalt  }
0x7c: {  	_ =	shalt  }
0x7d: {  	_ =	shalt  }
0x7e: {  	_ =	shalt  }
0x7f: {  	_ =	shalt  }
0x80: {  	_ =	shalt  }
0x81: {  	_ =	shalt  }
0x82: {  	_ =	shalt  }
0x83: {  	_ =	shalt  }
0x84: {  	_ =	shalt  }
0x85: {  	_ =	shalt  }
0x86: {  	_ =	shalt  }
0x87: {  	_ =	shalt  }
.Lfunc_end0:
.L_simem_size_0:
called_computation.1_lowered:
.L_overlay_start_0:
0x88: {  	s2 =	sld [smem:$0x3FD9]  }
0x89: {  	s3 =	sld [smem:$0x3FFE];
	_ =	sdelay $0x1  }
0x8a: {  	s1 =	srdreg.scid  }
0x8b: {  	s0 =	sand.u32 $0x1, s1  }
0x8c: {  	s16 =	sshll.u32 s0, $0xA;
	s2 =	sadd.s32 s3, s2  }
0x8d: {  	s2 =	sadd.s32 s2, s16  }
0x8e: {  	[smem:$0x3FC7] =	sst s2  }
0x8f: {  	_ = 	snop  }
0x90: {  	(tm) =	ssettm $0x1  }
0x91: {  	s17 =	sld [smem:$0x3FFB];
	_ =	sdelay $0x3  }
0x92: {  	_ =	strace s17  }
0x93: {  	s2 =	sld [smem:$0x3FFC];
	_ =	sdelay $0x3  }
0x94: {  	_ =	strace s2  }
0x95: {  	s2 =	sld [smem:$0x3FFD];
	_ =	sdelay $0x3  }
0x96: {  	_ =	strace s2  }
0x97: {  	_ =	strace $0x8FFFFFFF  }
0x98: {  	s18 =	sld [smem:$0x3FDB];
	_ =	sdelay $0x1  }
0x99: {  	s19 =	simm.s32 $_scs_section_size  }
0x9a: {  	s4 =	simm.s32 $_size__tile_overlayer_lowered;
	s5 =	simm.s32 $_tile_overlayer_lowered  }
0x9b: {  	s22 =	simm.s32 $0x1BFF;
	s21 =	sshll.u32 s5, $0x1;
	s2 =	sadd.s32 s19, s18  }
0x9c: {  	s6 =	simm.s32 $0x0;
	s20 =	sshll.u32 s4, $0x1;
	s4 =	sadd.s32 s21, s2  }
0x9d: {  	[timem:s6], [sflag:s22] =	dma.local [hbm:s4], s20  }
0x9e: {  	_ =	swait.ge [sflag:s22], s20  }
0x9f: {  	s3 =	ssub.s32 $0x0, s20;
	[sflag:s22] =	ssyncset.done $0x0  }
0xa0: {  	[sflag:s22] =	ssyncadd.s32 s3;
	_ =	sdelay $0x1  }
0xa1: {  	s23 =	simm.s32 $0x1B8B  }
0xa2: {  	_ =	swait.ge [sflag:s23], $0x1  }
0xa3: {  	[sflag:s23] =	ssyncset.done $0x0  }
0xa4: {  	s25 =	simm.s32 $0x1B8E;
	s24 =	sld [smem:$0x3FFE];
	[sflag:s23] =	ssyncadd.s32 $0xFFFFFFFF  }
0xa5: {  	s26 =	simm.s32 $execute0_lowered;
	[smem:$0x3FD2] =	sst s25  }
0xa6: {  	s4 =	sshll.u32 s26, $0x1;
	_ =	strace $0x80000046;
	[dreg:$0x1] =	wrdreg $0xFFFFFFFF  }
0xa7: {  	s28 =	simm.s32 $_size_execute0_lowered;
	s2 =	sadd.s32 s2, s4;
	[dreg:$0x0] =	wrdreg $0x0  }
0xa8: {  	s4 =	sshll.u32 s28, $0x1;
	[dreg:$0x2] =	wrdreg s2  }
0xa9: {  	[dreg:$0x3] =	wrdreg s4  }
0xaa: {  	[dreg:$0x4] =	wrdreg $0xC0  }
0xab: {  	_ =	task [dreg:s6], $0x5FFFF  }
0xac: {  	[dreg:$0x1] =	wrdreg $0xFFFFFFFF  }
0xad: {  	[dreg:$0x0] =	wrdreg $0x60  }
0xae: {  	[dreg:$0x2] =	wrdreg s24  }
0xaf: {  	[dreg:$0x3] =	wrdreg $0x9  }
0xb0: {  	_ =	task.clear_ibuf [dreg:s6], $0x4FFFF;
	_ =	strace $0x90000046  }
0xb1: {  	s29 =	simm.s32 $0x9;
	_ =	strace $0x80000048  }
0xb2: {  	_ =	swait.ge [sflag:s29], $0x1  }
0xb3: {  	[sflag:s29] =	ssyncadd.s32 $0xFFFFFFFF  }
0xb4: {  	_ =	strace $0x90000048  }
0xb5: {  	_ =	sfence  }
0xb6: {  	s30 =	sld [smem:$0x0];
	_ =	sdelay $0x2  }
0xb7: {  	s31 =	sshll.u32 s1, $0xD;
	s1 =	sshrl.u32 s1, $0x2  }
0xb8: {  	s3 =	sand.u32 $0x4000, s31;
	s1 =	sadd.s32 s1, s30  }
0xb9: {  	s0 =	sor.u32 s3, s0;
	s1 =	sshll.u32 s1, $0x11  }
0xba: {  	s0 =	sor.u32 s1, s0  }
0xbb: {  	s0 =	sadd.s32 $0x8F2B, s0  }
0xbc: {  	[sflag:s0] =	ssyncadd.remote.s32 $0x1  }
0xbd: {  	_ =	sfence.sel $0xFFFF  }
0xbe: {  	[dreg:$0x0] =	wrdreg $0xFFFFFFFF;
	(pc) =	sbr.abs _section_cstart, $3  }
0xbf: {  	[dreg:$0x1] =	wrdreg $0xFFFFFFFF  }
0xc0: {  	_ =	task.clear_ibuf [dreg:s6], $0x2FFFF;
	_ =	strace $0x9FFFFFFF  }
0xc1: {  	(tm) =	ssettm $0x7FFFFFFF  }
tec
execute0_lowered:
.L_overlay_start_1:
0x0: {  	(tag) =	ssettag $0x1  }
0x1: {  	s1 =	srdreg.scid;
	s0 =	stileid.u32  }
0x2: {  	s5 =	rddreg [dreg:$0x0];
	s2 =	simm.s32 $0x0;
	s10 =	simm.s32 $0x1  }
0x3: {  	s11 =	simm.s32 $0x7000;
	s12 =	simm.s32 $0xE000;
	s13 =	simm.s32 $0x2  }
0x4: {  	s14 =	simm.s32 $0x15000;
	s15 =	simm.s32 $0x3;
	s16 =	simm.s32 $0x4  }
0x5: {  	s3 =	sand.u32 $0x1, s1;
	s4 =	sshll.u32 s0, $0x1;
	s1 =	rddreg [dreg:$0x1]  }
0x6: {  	s17 =	simm.s32 $0x0;
	[smem:$0x7FF] =	sst s2;
	s4 =	sor.u32 s3, s4  }
0x7: {  	v0 =	vlaneseq.u32;
	s6 =	ssub.s32 $0x2, s3;
	_ =	strace $0x80000047;
	s8 =	smul.u32 $0x31000, s4  }
0x8: {  	v0 =	vmul.u32 $0x2, v0;
	s3 =	smul.u32 $0x3100, s4;
	s7 =	sshrl.u32 s6, $0x1;
	s4 =	sadd.s32 $0x800, s5  }
0x9: {  	s5 =	sadd.s32 $0x620800, s5;
	s9 =	ssub.s32 s6, s7;
	s6 =	sadd.s32 s4, s8  }
0xa: {  	v1 =	vor.u32 $0x20, v0;
	v2 =	vor.u32 $0x40, v0;
	s7 =	sor.u32 $0xE0, s3;
	s8 =	sadd.s32 $0x1C0, s3;
	s9 =	smax.u32 s9, $0x1  }
.LBB2_1:
0xb: {  	[tilespmem:s2], [sflag:$0x1] =	stream.linear.gather [hbm4b:s6+s2], $0x7000, $0x38;
	[tilespmem:$0x1C000] =	vst v63  }
0xc: {  	s18 =	simm.s32 $0x0  }
.LBB2_2:
0xd: {  	s20 =	smul.u32 $0x1C0, s18;
	_ =	sdelay $0x1  }
0xe: {  	_ =	swait.ge [sflag:s10], $0x7000;
	s22 =	simm.s32 $0x180;
	s19 =	sadd.s32 s20, s7  }
0xf: {  	p0 =	seq.s32 s18, $0x0;
	[sflag:s10] =	ssyncset.done $0x0;
	s19 =	sshll.u32 s19, $0x4  }
0x10: {  	s24 =	simm.s32 $0x80;
	[sflag:s10] =	ssyncadd.s32 $0xFFFF9000;
	s21 =	sadd.s32 s4, s19  }
0x11: {  	v3 =	vor.u32 s22, v0;
	[tilespmem:s11], [sflag:$0x2] =	stream.linear.gather [hbm4b:s21+s2], $0x7000, $0x38;
	[tilespmem:$0x1C000] =	vst v63  }
0x12: {  	v4 =	vor.u32 s24, v0;
	s21 =	simm.s32 @!p0 $0x3  }
0x13: {  	s25 =	simm.s32 $0x100;
	_ =	swait.ge @!p0 [sflag:s21], $0x7000  }
0x14: {  	s29 =	simm.s32 $0x280;
	v5 =	vor.u32 s25, v0;
	[sflag:s21] =	ssyncset.done @!p0 $0x0  }
0x15: {  	s23 =	simm.s32 $0x0;
	v11 =	vor.u32 s29, v0;
	[sflag:s21] =	ssyncadd.s32 @!p0 $0xFFFF9000  }
0x16: {  	v6 =	vor.u32 s23, v0;
	v3 =	vld.idx.msk [tilespmem:v3+s2+$0x0], $0xffff  }
0x17: {  	v7 =	vor.u32 s22, v1;
	v4 =	vld.idx.msk [tilespmem:v4+s2+$0x0], $0xffff  }
0x18: {  	s26 =	simm.s32 $0x200;
	v8 =	vor.u32 s24, v1  }
0x19: {  	v10 =	vor.u32 s26, v0;
	v5 =	vld.idx.msk [tilespmem:v5+s2+$0x0], $0xffff  }
0x1a: {  	v9 =	vor.u32 s25, v1;
	s21 =	simm.s32 $0xE100;
	v11 =	vld.idx.msk [tilespmem:v11+s2+$0x0], $0xffff  }
0x1b: {  	s28 =	simm.s32 $0x380;
	v15 =	vor.u32 s29, v1;
	v6 =	vld.idx.msk [tilespmem:v6+s2+$0x0], $0xffff;
	[tilespmem:s21+$0x80] =	vst v3  }
0x1c: {  	s30 =	simm.s32 $0x300;
	v3 =	vor.u32 s28, v0;
	[tilespmem:s21+$0xFFFFFF80] =	vst v4;
	v4 =	vld.idx.msk [tilespmem:v7+s2+$0x0], $0xffff  }
0x1d: {  	v7 =	vld.idx.msk [tilespmem:v8+s2+$0x0], $0xffff;
	v8 =	vor.u32 s30, v0  }
0x1e: {  	v12 =	vor.u32 s23, v1;
	v10 =	vld.idx.msk [tilespmem:v10+s2+$0x0], $0xffff;
	[tilespmem:s21+$0x0] =	vst v5;
	v5 =	vor.u32 s22, v2;
	s22 =	simm.s32 $0xE300  }
0x1f: {  	v13 =	vor.u32 s24, v2;
	v9 =	vld.idx.msk [tilespmem:v9+s2+$0x0], $0xffff;
	[tilespmem:s22+$0xFFFFFF80] =	vst v11  }
0x20: {  	v14 =	vor.u32 s25, v2;
	v15 =	vld.idx.msk [tilespmem:v15+s2+$0x0], $0xffff  }
0x21: {  	[tilespmem:s21+$0xFFFFFF00] =	vst v6;
	v3 =	vld.idx.msk [tilespmem:v3+s2+$0x0], $0xffff  }
0x22: {  	[tilespmem:s21+$0x90] =	vst v4;
	v4 =	vor.u32 s28, v1;
	v6 =	vld.idx.msk [tilespmem:v8+s2+$0x0], $0xffff  }
0x23: {  	s24 =	simm.s32 $0x400;
	v8 =	vor.u32 s30, v1;
	[tilespmem:s21+$0xFFFFFF90] =	vst v7;
	v7 =	vld.idx.msk [tilespmem:v12+s2+$0x0], $0xffff  }
0x24: {  	s31 =	simm.s32 $0x480;
	[tilespmem:s21+$0x10] =	vst v9;
	v12 =	vor.u32 s24, v0;
	v9 =	vld.idx.msk [tilespmem:v13+s2+$0x0], $0xffff  }
0x25: {  	v13 =	vld.idx.msk [tilespmem:v14+s2+$0x0], $0xffff;
	v14 =	vor.u32 s31, v0  }
0x26: {  	s25 =	simm.s32 $0x580;
	v19 =	vor.u32 s26, v1;
	v5 =	vld.idx.msk [tilespmem:v5+s2+$0x0], $0xffff;
	[tilespmem:s22+$0x80] =	vst v3  }
0x27: {  	v3 =	vor.u32 s25, v0;
	v4 =	vld.idx.msk [tilespmem:v4+s2+$0x0], $0xffff;
	[tilespmem:s22+$0x0] =	vst v6  }
0x28: {  	v21 =	vor.u32 s29, v2;
	[tilespmem:s22+$0xFFFFFF00] =	vst v10;
	v20 =	vld.idx.msk [tilespmem:v8+s2+$0x0], $0xffff  }
0x29: {  	v11 =	vor.u32 s28, v2;
	s28 =	simm.s32 $0x500;
	[tilespmem:s22+$0xFFFFFF90] =	vst v15;
	v8 =	vld.idx.msk [tilespmem:v12+s2+$0x0], $0xffff  }
0x2a: {  	v6 =	vor.u32 s28, v0;
	[tilespmem:s21+$0xFFFFFF10] =	vst v7;
	v17 =	vld.idx.msk [tilespmem:v14+s2+$0x0], $0xffff  }
0x2b: {  	[tilespmem:s21+$0x20] =	vst v13;
	v13 =	vld.idx.msk [tilespmem:v19+s2+$0x0], $0xffff  }
0x2c: {  	v10 =	vor.u32 s30, v2;
	[tilespmem:s21+$0xA0] =	vst v5;
	v18 =	vld.idx.msk [tilespmem:v3+s2+$0x0], $0xffff  }
0x2d: {  	v19 =	vor.u32 s25, v1;
	v14 =	vld.idx.msk [tilespmem:v21+s2+$0x0], $0xffff;
	[tilespmem:s22+$0x90] =	vst v4  }
0x2e: {  	v7 =	vor.u32 s23, v2;
	[tilespmem:s21+$0xFFFFFFA0] =	vst v9;
	v12 =	vor.u32 s31, v1;
	v16 =	vld.idx.msk [tilespmem:v11+s2+$0x0], $0xffff  }
0x2f: {  	s23 =	sadd.s32 s3, s20;
	v5 =	vor.u32 s24, v1;
	v9 =	vor.u32 s28, v2;
	v3 =	vor.u32 s26, v2;
	v15 =	vld.idx.msk [tilespmem:v6+s2+$0x0], $0xffff  }
0x30: {  	s26 =	simm.s32 $0x600;
	v4 =	vor.u32 s24, v2;
	v6 =	vor.u32 s31, v2;
	s24 =	simm.s32 $0xE500;
	v11 =	vor.u32 s28, v1;
	[tilespmem:s22+$0x10] =	vst v20;
	s28 =	simm.s32 $0x10  }
.LBB2_3:
0x31: {  	p0 =	slt.u32 s28, $0xDC;
	v20 =	vor.u32 s26, v0;
	v21 =	vor.u32 s26, v1;
	v22 =	vor.u32 s26, v2;
	s29 =	sadd.s32 $0x80, s26;
	s30 =	sadd.s32 $0x180, s26;
	[tilespmem:s24+$0x80] =	vst v18;
	v23 =	vld.idx.msk [tilespmem:v10+s2+$0x0], $0xffff;
	v10 =	vmovc v9  }
0x32: {  	s26 =	sadd.s32 $0x100, s26;
	s31 =	smov.u32 s21;
	s21 =	smov.u32 s22;
	v24 =	vor.u32 s29, v0;
	v9 =	vor.u32 s29, v1;
	v18 =	vor.u32 s30, v0;
	[tilespmem:s24+$0xFFFFFF80] =	vst v17;
	v19 =	vld.idx.msk [tilespmem:v19+s2+$0x0], $0xffff  }
0x33: {  	s22 =	smov.u32 s24;
	v25 =	vor.u32 s29, v2;
	v26 =	vor.u32 s26, v0;
	v17 =	vor.u32 s26, v1;
	v27 =	vld.idx.msk [tilespmem:v12+s2+$0x0], $0xffff;
	[tilespmem:s21+$0xA0] =	vst v16;
	v12 =	vmovc v9  }
0x34: {  	v9 =	vor.u32 s26, v2;
	[tilespmem:s24+$0x0] =	vst v15;
	v15 =	vor.u32 s25, v2;
	v28 =	vld.idx.msk [tilespmem:v7+s2+$0x0], $0xffff;
	v7 =	vmovc v3;
	v3 =	vmovc v4;
	v4 =	vmov v22;
	s25 =	smov.u32 s30  }
0x35: {  	[tilespmem:s24+$0xFFFFFF00] =	vst v8;
	v22 =	vld.idx.msk [tilespmem:v11+s2+$0x0], $0xffff;
	v11 =	vmov v17  }
0x36: {  	v8 =	vld.idx.msk [tilespmem:v20+s2+$0x0], $0xffff;
	[tilespmem:s21+$0xFFFFFF10] =	vst v13  }
0x37: {  	v18 =	vld.idx.msk [tilespmem:v18+s2+$0x0], $0xffff;
	[tilespmem:s21+$0xFFFFFFA0] =	vst v14  }
.Ltmp0:
0x38: {  	v17 =	vld.idx.msk [tilespmem:v24+s2+$0x0], $0xffff;
	[tilespmem:s24+$0x90] =	vst v19;
	(pc) =	sbr.rel @p0 .LBB2_3-.Ltmp0, $4  }
0x39: {  	v19 =	vor.u32 s25, v1;
	[tilespmem:s24+$0xFFFFFF90] =	vst v27;
	v16 =	vld.idx.msk [tilespmem:v15+s2+$0x0], $0xffff  }
0x3a: {  	v15 =	vld.idx.msk [tilespmem:v26+s2+$0x0], $0xffff;
	[tilespmem:s21+$0x20] =	vst v23  }
0x3b: {  	v13 =	vld.idx.msk [tilespmem:v5+s2+$0x0], $0xffff;
	[tilespmem:s24+$0x10] =	vst v22;
	v5 =	vmov v21  }
0x3c: {  	s26 =	sshll.u32 s28, $0x7;
	s28 =	sadd.s32 $0x4, s28;
	s24 =	sadd.s32 $0x200, s24;
	v14 =	vld.idx.msk [tilespmem:v6+s2+$0x0], $0xffff;
	[tilespmem:s31+$0xFFFFFF20] =	vst v28;
	v6 =	vmov v25  }
0x3d: {  	_ =	sdelay $0x1  }
0x3e: {  	[tilespmem:s24+$0x80] =	vst v18  }
0x3f: {  	[tilespmem:s24+$0xFFFFFF80] =	vst v17  }
0x40: {  	v10 =	vld.idx.msk [tilespmem:v10+s2+$0x0], $0xffff;
	[tilespmem:s24+$0xFFFFFF00] =	vst v8  }
0x41: {  	s28 =	sadd.s32 $0x180, s26;
	v7 =	vld.idx.msk [tilespmem:v7+s2+$0x0], $0xffff;
	[tilespmem:s22+$0xA0] =	vst v16  }
0x42: {  	s29 =	sadd.s32 $0x80, s26;
	v17 =	vor.u32 s28, v0;
	v18 =	vld.idx.msk [tilespmem:v19+s2+$0x0], $0xffff;
	[tilespmem:s24+$0x0] =	vst v15  }
0x43: {  	s31 =	sadd.s32 $0x100, s26;
	v16 =	vor.u32 s29, v0;
	v12 =	vld.idx.msk [tilespmem:v12+s2+$0x0], $0xffff;
	[tilespmem:s22+$0xFFFFFF10] =	vst v13  }
0x44: {  	v8 =	vor.u32 s31, v0;
	v5 =	vld.idx.msk [tilespmem:v5+s2+$0x0], $0xffff;
	[tilespmem:s22+$0xFFFFFFA0] =	vst v14  }
0x45: {  	v11 =	vld.idx.msk [tilespmem:v11+s2+$0x0], $0xffff;
	v13 =	vor.u32 s26, v0;
	[tilespmem:s22+$0x20] =	vst v10  }
0x46: {  	v3 =	vld.idx.msk [tilespmem:v3+s2+$0x0], $0xffff;
	[tilespmem:s21+$0xFFFFFF20] =	vst v7  }
0x47: {  	v14 =	vld.idx.msk [tilespmem:v17+s2+$0x0], $0xffff;
	[tilespmem:s24+$0x90] =	vst v18  }
0x48: {  	v16 =	vld.idx.msk [tilespmem:v16+s2+$0x0], $0xffff;
	[tilespmem:s24+$0xFFFFFF90] =	vst v12;
	v12 =	vor.u32 s28, v1  }
0x49: {  	v10 =	vor.u32 s29, v1;
	v8 =	vld.idx.msk [tilespmem:v8+s2+$0x0], $0xffff;
	[tilespmem:s24+$0xFFFFFF10] =	vst v5  }
0x4a: {  	[tilespmem:s24+$0x10] =	vst v11;
	v11 =	vor.u32 s31, v1;
	v13 =	vld.idx.msk [tilespmem:v13+s2+$0x0], $0xffff  }
0x4b: {  	s30 =	sadd.s32 $0x200, s24;
	v7 =	vor.u32 s26, v1;
	v6 =	vld.idx.msk [tilespmem:v6+s2+$0x0], $0xffff;
	[tilespmem:s22+$0xFFFFFF20] =	vst v3  }
0x4c: {  	v15 =	vor.u32 s25, v2;
	v9 =	vld.idx.msk [tilespmem:v9+s2+$0x0], $0xffff;
	[tilespmem:s30+$0x80] =	vst v14  }
0x4d: {  	[tilespmem:s30+$0xFFFFFF80] =	vst v16;
	v12 =	vld.idx.msk [tilespmem:v12+s2+$0x0], $0xffff  }
0x4e: {  	[tilespmem:s30+$0x0] =	vst v8;
	v8 =	vor.u32 s28, v2;
	v10 =	vld.idx.msk [tilespmem:v10+s2+$0x0], $0xffff  }
0x4f: {  	v14 =	vor.u32 s29, v2;
	[tilespmem:s30+$0xFFFFFF00] =	vst v13;
	v11 =	vld.idx.msk [tilespmem:v11+s2+$0x0], $0xffff  }
0x50: {  	[tilespmem:s24+$0xFFFFFFA0] =	vst v6;
	v13 =	vor.u32 s31, v2;
	v5 =	vld.idx.msk [tilespmem:v7+s2+$0x0], $0xffff  }
0x51: {  	v15 =	vld.idx.msk [tilespmem:v15+s2+$0x0], $0xffff;
	v6 =	vor.u32 s26, v2;
	[tilespmem:s24+$0x20] =	vst v9  }
0x52: {  	v4 =	vld.idx.msk [tilespmem:v4+s2+$0x0], $0xffff;
	[tilespmem:s30+$0x90] =	vst v12  }
0x53: {  	[tilespmem:s30+$0xFFFFFF90] =	vst v10;
	v7 =	vld.idx.msk [tilespmem:v8+s2+$0x0], $0xffff  }
0x54: {  	[tilespmem:s30+$0x10] =	vst v11;
	v8 =	vld.idx.msk [tilespmem:v14+s2+$0x0], $0xffff  }
0x55: {  	v9 =	vld.idx.msk [tilespmem:v13+s2+$0x0], $0xffff;
	[tilespmem:s30+$0xFFFFFF10] =	vst v5  }
0x56: {  	[tilespmem:s24+$0xA0] =	vst v15;
	v3 =	vld.idx.msk [tilespmem:v6+s2+$0x0], $0xffff  }
0x57: {  	[tilespmem:s24+$0xFFFFFF20] =	vst v4  }
0x58: {  	[tilespmem:s30+$0xA0] =	vst v7  }
0x59: {  	[tilespmem:s30+$0xFFFFFFA0] =	vst v8  }
0x5a: {  	p0 =	seq.s32 s18, $0x1B;
	s31 =	sshll.u32 s23, $0x4;
	[tilespmem:s30+$0x20] =	vst v9  }
0x5b: {  	s20 =	sadd.s32 @!p0 s20, s8;
	s23 =	sadd.s32 s5, s31;
	[tilespmem:s30+$0xFFFFFF20] =	vst v3  }
0x5c: {  	[hbm4b:s23+s2] =	stream.linear.scatter [tilespmem:s12], [sflag:$0x3], $0x7000, $0x38;
	[tilespmem:$0x1C000] =	vst v63  }
0x5d: {  	p1 =	seq.s32 @!p0 s18, $0x0;
	s20 =	sshll.u32 @!p0 s20, $0x4;
	_ =	swait.ge [sflag:s13], $0x7000  }
0x5e: {  	s20 =	sadd.s32 @!p0 s4, s20;
	s21 =	simm.s32 @!p0 $0x0;
	[sflag:s13] =	ssyncset.done $0x0  }
0x5f: {  	s26 =	simm.s32 $0x80;
	s24 =	simm.s32 $0x180;
	[sflag:s13] =	ssyncadd.s32 $0xFFFF9000  }
0x60: {  	v3 =	vor.u32 s24, v0;
	[tilespmem:s21], [sflag:$0x1] =	stream.linear.gather @!p0 [hbm4b:s20+s21], $0x7000, $0x38;
	[tilespmem:$0x1C000] =	vst v63  }
0x61: {  	v4 =	vor.u32 s26, v0;
	s30 =	simm.s32 $0x100;
	p0 =	por p0, !p1  }
0x62: {  	v5 =	vor.u32 s30, v0;
	_ =	swait.ge @p0 [sflag:s16], $0x7000  }
0x63: {  	s28 =	simm.s32 $0x280;
	[sflag:s16] =	ssyncset.done @p0 $0x0  }
0x64: {  	s22 =	simm.s32 $0x0;
	v11 =	vor.u32 s28, v0;
	[sflag:s16] =	ssyncadd.s32 @p0 $0xFFFF9000  }
0x65: {  	v6 =	vor.u32 s22, v0;
	v3 =	vld.idx.msk [tilespmem:v3+s11+$0x0], $0xffff  }
0x66: {  	v7 =	vor.u32 s24, v1;
	v4 =	vld.idx.msk [tilespmem:v4+s11+$0x0], $0xffff  }
0x67: {  	v8 =	vor.u32 s26, v1;
	v5 =	vld.idx.msk [tilespmem:v5+s11+$0x0], $0xffff  }
0x68: {  	s25 =	simm.s32 $0x200;
	v9 =	vor.u32 s30, v1  }
0x69: {  	v10 =	vor.u32 s25, v0;
	s20 =	simm.s32 $0x15100;
	v11 =	vld.idx.msk [tilespmem:v11+s11+$0x0], $0xffff  }
0x6a: {  	v15 =	vor.u32 s28, v1;
	s31 =	simm.s32 $0x380;
	v6 =	vld.idx.msk [tilespmem:v6+s11+$0x0], $0xffff;
	[tilespmem:s20+$0x80] =	vst v3  }
0x6b: {  	s29 =	simm.s32 $0x300;
	v3 =	vor.u32 s31, v0;
	[tilespmem:s20+$0xFFFFFF80] =	vst v4;
	v4 =	vld.idx.msk [tilespmem:v7+s11+$0x0], $0xffff  }
0x6c: {  	[tilespmem:s20+$0x0] =	vst v5;
	v7 =	vld.idx.msk [tilespmem:v8+s11+$0x0], $0xffff;
	v8 =	vor.u32 s29, v0  }
0x6d: {  	v12 =	vor.u32 s22, v1;
	s21 =	simm.s32 $0x15300;
	v9 =	vld.idx.msk [tilespmem:v9+s11+$0x0], $0xffff  }
0x6e: {  	v13 =	vor.u32 s26, v2;
	v10 =	vld.idx.msk [tilespmem:v10+s11+$0x0], $0xffff;
	[tilespmem:s21+$0xFFFFFF80] =	vst v11  }
0x6f: {  	v14 =	vor.u32 s30, v2;
	[tilespmem:s20+$0xFFFFFF00] =	vst v6;
	v15 =	vld.idx.msk [tilespmem:v15+s11+$0x0], $0xffff  }
0x70: {  	v5 =	vor.u32 s24, v2;
	v3 =	vld.idx.msk [tilespmem:v3+s11+$0x0], $0xffff;
	[tilespmem:s20+$0x90] =	vst v4  }
0x71: {  	s24 =	simm.s32 $0x400;
	v4 =	vor.u32 s31, v1;
	v6 =	vld.idx.msk [tilespmem:v8+s11+$0x0], $0xffff;
	[tilespmem:s20+$0xFFFFFF90] =	vst v7  }
0x72: {  	v7 =	vld.idx.msk [tilespmem:v12+s11+$0x0], $0xffff;
	[tilespmem:s20+$0x10] =	vst v9;
	v9 =	vor.u32 s24, v0  }
0x73: {  	s30 =	simm.s32 $0x480;
	v8 =	vor.u32 s29, v1;
	v12 =	vld.idx.msk [tilespmem:v13+s11+$0x0], $0xffff  }
0x74: {  	s23 =	simm.s32 $0x580;
	v13 =	vld.idx.msk [tilespmem:v14+s11+$0x0], $0xffff;
	v14 =	vor.u32 s30, v0  }
0x75: {  	v5 =	vld.idx.msk [tilespmem:v5+s11+$0x0], $0xffff;
	[tilespmem:s21+$0x80] =	vst v3;
	v3 =	vor.u32 s23, v0  }
0x76: {  	v21 =	vor.u32 s28, v2;
	[tilespmem:s21+$0xFFFFFF00] =	vst v10;
	v4 =	vld.idx.msk [tilespmem:v4+s11+$0x0], $0xffff  }
0x77: {  	v11 =	vor.u32 s31, v2;
	s31 =	simm.s32 $0x500;
	[tilespmem:s21+$0x0] =	vst v6;
	v9 =	vld.idx.msk [tilespmem:v9+s11+$0x0], $0xffff  }
0x78: {  	[tilespmem:s21+$0xFFFFFF90] =	vst v15;
	v6 =	vor.u32 s31, v0;
	v20 =	vld.idx.msk [tilespmem:v8+s11+$0x0], $0xffff  }
0x79: {  	[tilespmem:s20+$0xFFFFFF10] =	vst v7;
	v8 =	vor.u32 s25, v1;
	v17 =	vld.idx.msk [tilespmem:v14+s11+$0x0], $0xffff  }
0x7a: {  	v10 =	vor.u32 s29, v2;
	[tilespmem:s20+$0xA0] =	vst v5;
	v18 =	vld.idx.msk [tilespmem:v3+s11+$0x0], $0xffff  }
0x7b: {  	v19 =	vor.u32 s23, v1;
	v14 =	vld.idx.msk [tilespmem:v21+s11+$0x0], $0xffff;
	[tilespmem:s21+$0x90] =	vst v4  }
0x7c: {  	v7 =	vor.u32 s22, v2;
	[tilespmem:s20+$0xFFFFFFA0] =	vst v12;
	v12 =	vor.u32 s30, v1;
	v16 =	vld.idx.msk [tilespmem:v11+s11+$0x0], $0xffff  }
0x7d: {  	v5 =	vor.u32 s24, v1;
	[tilespmem:s20+$0x20] =	vst v13;
	v3 =	vor.u32 s24, v2;
	v4 =	vor.u32 s25, v2;
	v15 =	vld.idx.msk [tilespmem:v6+s11+$0x0], $0xffff  }
0x7e: {  	s22 =	simm.s32 $0x15500;
	s24 =	simm.s32 $0x600;
	v6 =	vor.u32 s30, v2;
	s25 =	simm.s32 $0x10;
	v13 =	vld.idx.msk [tilespmem:v8+s11+$0x0], $0xffff;
	v11 =	vor.u32 s31, v1;
	v8 =	vor.u32 s31, v2;
	[tilespmem:s21+$0x10] =	vst v20  }
.LBB2_5:
0x7f: {  	p0 =	slt.u32 s25, $0xDC;
	v20 =	vor.u32 s24, v0;
	v21 =	vor.u32 s24, v1;
	v22 =	vor.u32 s24, v2;
	s26 =	sadd.s32 $0x80, s24;
	s28 =	sadd.s32 $0x180, s24;
	[tilespmem:s22+$0x80] =	vst v18;
	v23 =	vld.idx.msk [tilespmem:v10+s11+$0x0], $0xffff;
	v10 =	vmovc v8  }
0x80: {  	s24 =	sadd.s32 $0x100, s24;
	s29 =	smov.u32 s20;
	s20 =	smov.u32 s21;
	v24 =	vor.u32 s26, v0;
	v8 =	vor.u32 s26, v1;
	v18 =	vor.u32 s28, v0;
	[tilespmem:s22+$0xFFFFFF80] =	vst v17;
	v19 =	vld.idx.msk [tilespmem:v19+s11+$0x0], $0xffff  }
0x81: {  	s21 =	smov.u32 s22;
	v25 =	vor.u32 s26, v2;
	v26 =	vor.u32 s24, v0;
	v17 =	vor.u32 s24, v1;
	v27 =	vld.idx.msk [tilespmem:v12+s11+$0x0], $0xffff;
	[tilespmem:s20+$0xA0] =	vst v16;
	v12 =	vmovc v8  }
0x82: {  	v8 =	vor.u32 s24, v2;
	[tilespmem:s22+$0x0] =	vst v15;
	v15 =	vor.u32 s23, v2;
	v28 =	vld.idx.msk [tilespmem:v7+s11+$0x0], $0xffff;
	v7 =	vmovc v4;
	v4 =	vmovc v3;
	v3 =	vmov v22;
	s23 =	smov.u32 s28  }
0x83: {  	[tilespmem:s22+$0xFFFFFF00] =	vst v9;
	v22 =	vld.idx.msk [tilespmem:v11+s11+$0x0], $0xffff;
	v11 =	vmov v17  }
0x84: {  	v9 =	vld.idx.msk [tilespmem:v20+s11+$0x0], $0xffff;
	[tilespmem:s20+$0xFFFFFF10] =	vst v13  }
0x85: {  	v18 =	vld.idx.msk [tilespmem:v18+s11+$0x0], $0xffff;
	[tilespmem:s20+$0xFFFFFFA0] =	vst v14  }
.Ltmp1:
0x86: {  	v17 =	vld.idx.msk [tilespmem:v24+s11+$0x0], $0xffff;
	[tilespmem:s22+$0x90] =	vst v19;
	(pc) =	sbr.rel @p0 .LBB2_5-.Ltmp1, $4  }
0x87: {  	v19 =	vor.u32 s23, v1;
	[tilespmem:s22+$0xFFFFFF90] =	vst v27;
	v16 =	vld.idx.msk [tilespmem:v15+s11+$0x0], $0xffff  }
0x88: {  	v15 =	vld.idx.msk [tilespmem:v26+s11+$0x0], $0xffff;
	[tilespmem:s20+$0x20] =	vst v23  }
0x89: {  	v13 =	vld.idx.msk [tilespmem:v5+s11+$0x0], $0xffff;
	[tilespmem:s22+$0x10] =	vst v22;
	v5 =	vmov v21  }
0x8a: {  	s24 =	sshll.u32 s25, $0x7;
	s25 =	sadd.s32 $0x4, s25;
	s22 =	sadd.s32 $0x200, s22;
	v14 =	vld.idx.msk [tilespmem:v6+s11+$0x0], $0xffff;
	[tilespmem:s29+$0xFFFFFF20] =	vst v28;
	v6 =	vmov v25  }
0x8b: {  	_ =	sdelay $0x1  }
0x8c: {  	[tilespmem:s22+$0x80] =	vst v18  }
0x8d: {  	[tilespmem:s22+$0xFFFFFF80] =	vst v17  }
0x8e: {  	v10 =	vld.idx.msk [tilespmem:v10+s11+$0x0], $0xffff;
	[tilespmem:s22+$0xFFFFFF00] =	vst v9  }
0x8f: {  	v7 =	vld.idx.msk [tilespmem:v7+s11+$0x0], $0xffff;
	[tilespmem:s21+$0xA0] =	vst v16  }
0x90: {  	s25 =	sadd.s32 $0x180, s24;
	v49 =	vor.u32 s24, v0;
	v18 =	vld.idx.msk [tilespmem:v19+s11+$0x0], $0xffff;
	[tilespmem:s22+$0x0] =	vst v15  }
0x91: {  	s26 =	sadd.s32 $0x80, s24;
	v45 =	vor.u32 s25, v0;
	v12 =	vld.idx.msk [tilespmem:v12+s11+$0x0], $0xffff;
	[tilespmem:s21+$0xFFFFFF10] =	vst v13  }
0x92: {  	s30 =	sadd.s32 $0x100, s24;
	v46 =	vor.u32 s26, v0;
	v5 =	vld.idx.msk [tilespmem:v5+s11+$0x0], $0xffff;
	[tilespmem:s21+$0xFFFFFFA0] =	vst v14  }
0x93: {  	v48 =	vor.u32 s30, v0;
	v11 =	vld.idx.msk [tilespmem:v11+s11+$0x0], $0xffff;
	[tilespmem:s21+$0x20] =	vst v10  }
0x94: {  	v47 =	vor.u32 s23, v2;
	v4 =	vld.idx.msk [tilespmem:v4+s11+$0x0], $0xffff;
	[tilespmem:s20+$0xFFFFFF20] =	vst v7  }
0x95: {  	v13 =	vld.idx.msk [tilespmem:v49+s11+$0x0], $0xffff;
	[tilespmem:s22+$0x90] =	vst v18  }
0x96: {  	v54 =	vor.u32 s24, v1;
	v50 =	vld.idx.msk [tilespmem:v45+s11+$0x0], $0xffff;
	[tilespmem:s22+$0xFFFFFF90] =	vst v12  }
0x97: {  	v51 =	vor.u32 s25, v1;
	v16 =	vld.idx.msk [tilespmem:v46+s11+$0x0], $0xffff;
	[tilespmem:s22+$0xFFFFFF10] =	vst v5  }
0x98: {  	v52 =	vor.u32 s26, v1;
	v9 =	vld.idx.msk [tilespmem:v48+s11+$0x0], $0xffff;
	[tilespmem:s22+$0x10] =	vst v11  }
0x99: {  	s31 =	sadd.s32 $0x200, s22;
	v53 =	vor.u32 s30, v1;
	v15 =	vld.idx.msk [tilespmem:v47+s11+$0x0], $0xffff;
	[tilespmem:s21+$0xFFFFFF20] =	vst v4  }
0x9a: {  	v6 =	vld.idx.msk [tilespmem:v6+s11+$0x0], $0xffff;
	[tilespmem:s31+$0xFFFFFF00] =	vst v13  }
0x9b: {  	[tilespmem:s31+$0x80] =	vst v50;
	v58 =	vld.idx.msk [tilespmem:v54+s11+$0x0], $0xffff  }
0x9c: {  	v59 =	vor.u32 s24, v2;
	[tilespmem:s31+$0xFFFFFF80] =	vst v16;
	v12 =	vld.idx.msk [tilespmem:v51+s11+$0x0], $0xffff  }
0x9d: {  	v55 =	vor.u32 s25, v2;
	[tilespmem:s31+$0x0] =	vst v9;
	v10 =	vld.idx.msk [tilespmem:v52+s11+$0x0], $0xffff  }
0x9e: {  	v56 =	vor.u32 s26, v2;
	[tilespmem:s22+$0xA0] =	vst v15;
	v11 =	vld.idx.msk [tilespmem:v53+s11+$0x0], $0xffff  }
0x9f: {  	v57 =	vor.u32 s30, v2;
	v3 =	vld.idx.msk [tilespmem:v3+s11+$0x0], $0xffff;
	[tilespmem:s22+$0xFFFFFFA0] =	vst v6  }
0xa0: {  	v8 =	vld.idx.msk [tilespmem:v8+s11+$0x0], $0xffff;
	[tilespmem:s31+$0xFFFFFF10] =	vst v58  }
0xa1: {  	[tilespmem:s31+$0x90] =	vst v12;
	v63 =	vld.idx.msk [tilespmem:v59+s11+$0x0], $0xffff  }
0xa2: {  	[tilespmem:s31+$0xFFFFFF90] =	vst v10;
	v60 =	vld.idx.msk [tilespmem:v55+s11+$0x0], $0xffff  }
0xa3: {  	[tilespmem:s31+$0x10] =	vst v11;
	v61 =	vld.idx.msk [tilespmem:v56+s11+$0x0], $0xffff  }
0xa4: {  	s18 =	sadd.s32 $0x1, s18;
	[tilespmem:s22+$0xFFFFFF20] =	vst v3;
	v62 =	vld.idx.msk [tilespmem:v57+s11+$0x0], $0xffff  }
0xa5: {  	p0 =	sne.s32 s18, $0x1C;
	[tilespmem:s22+$0x20] =	vst v8  }
.Ltmp2:
0xa6: {  	[tilespmem:s31+$0xFFFFFF20] =	vst v63;
	(pc) =	sbr.rel @p0 .LBB2_2-.Ltmp2, $4  }
0xa7: {  	[tilespmem:s31+$0xA0] =	vst v60  }
0xa8: {  	[tilespmem:s31+$0xFFFFFFA0] =	vst v61  }
0xa9: {  	s19 =	sadd.s32 s5, s19;
	[tilespmem:s31+$0x20] =	vst v62  }
0xaa: {  	[hbm4b:s19+s2] =	stream.linear.scatter [tilespmem:s14], [sflag:$0x4], $0x7000, $0x38;
	[tilespmem:$0x1C000] =	vst v63  }
0xab: {  	s17 =	sadd.s32 $0x1, s17  }
0xac: {  	_ =	swait.ge [sflag:s15], $0x7000;
	p0 =	sne.s32 s17, s9  }
.Ltmp3:
0xad: {  	[sflag:s15] =	ssyncset.done $0x0;
	(pc) =	sbr.rel @p0 .LBB2_1-.Ltmp3, $4  }
0xae: {  	[sflag:s15] =	ssyncadd.s32 $0xFFFF9000  }
0xaf: {  	_ =	swait.ge [sflag:s16], $0x7000  }
0xb0: {  	[sflag:s16] =	ssyncset.done $0x0  }
0xb1: {  	[sflag:s16] =	ssyncadd.s32 $0xFFFF9000  }
0xb2: {  	_ =	sfence.sel $0x180000  }
0xb3: {  	[bflag:$0x0] =	sbarrier.arrive $0xFFFF  }
0xb4: {  	p0 =	sne.s32 s0, $0x0;
	_ =	strace $0x90000047  }
0xb5: {  	s0 =	sadd.s32 @!p0 $0x100000, s1;
	[bflag:$0x2] =	sbarrier.arrive $0xFFFF  }
0xb6: {  	[sflag:s0] =	ssyncadd.tile.s32 @!p0 $0x1;
	_ =	shalt  }
.Lfunc_end2:
_tile_overlayer_lowered:
.L_overlay_start_2:
0xb7: {  	(tag) =	ssettag $0x2  }
0xb8: {  	s0 =	rddreg [dreg:$0x0];
	s2 =	stileid.u32  }
0xb9: {  	s1 =	rddreg [dreg:$0x1];
	p0 =	sne.s32 s2, $0x0  }
0xba: {  	s3 =	rddreg [dreg:$0x2];
	[bflag:$0x3] =	sbarrier.arrive $0xFFFF;
	s2 =	simm.s32 @!p0 $0x1C05  }
0xbb: {  	[timem:s3], [sflag:s2] =	dma.local @!p0 [hbm:s0], s1  }
0xbc: {  	s0 =	simm.s32 @!p0 $0x5  }
0xbd: {  	_ =	swait.ge @!p0 [sflag:s0], s1  }
0xbe: {  	s1 =	ssub.s32 @!p0 $0x0, s1;
	[sflag:s0] =	ssyncset.done @!p0 $0x0  }
0xbf: {  	[sflag:s0] =	ssyncadd.s32 @!p0 s1  }
0xc0: {  	[bflag:$0x3] =	sbarrier.arrive $0xFFFF  }
0xc1: {  	_ =	shalt  }

// kernel: sparse-core-data-format-call.cloned.1.call-start
scs
called_computation_lowered:
.L_overlay_start_0:
0x0: {  	s2 =	sld [smem:$0x3FD9]  }
0x1: {  	s3 =	sld [smem:$0x3FFE];
	_ =	sdelay $0x1  }
0x2: {  	s1 =	srdreg.scid  }
0x3: {  	s0 =	sand.u32 $0x1, s1  }
0x4: {  	s18 =	sshll.u32 s0, $0xA;
	s2 =	sadd.s32 s3, s2  }
0x5: {  	s2 =	sadd.s32 s2, s18  }
0x6: {  	[smem:$0x3FC7] =	sst s2  }
0x7: {  	_ = 	snop  }
0x8: {  	s2 =	sld [smem:$0x3FD0];
	(tm) =	ssettm $0x1  }
0x9: {  	s19 =	sld [smem:$0x3FFB];
	_ =	sdelay $0x3  }
0xa: {  	_ =	strace s19  }
0xb: {  	s3 =	sld [smem:$0x3FFC];
	_ =	sdelay $0x3  }
0xc: {  	_ =	strace s3  }
0xd: {  	s3 =	sld [smem:$0x3FFD];
	_ =	sdelay $0x3  }
0xe: {  	_ =	strace s3  }
0xf: {  	_ =	strace $0x8FFFFFFF  }
0x10: {  	s20 =	sld [smem:$0x3FDB];
	_ =	sdelay $0x1  }
0x11: {  	s4 =	simm.s32 $_scs_section_size  }
0x12: {  	s5 =	simm.s32 $_size__tile_overlayer_lowered;
	s6 =	simm.s32 $_tile_overlayer_lowered  }
0x13: {  	s23 =	simm.s32 $0x1BFF;
	s22 =	sshll.u32 s6, $0x1;
	s3 =	sadd.s32 s4, s20  }
0x14: {  	s7 =	simm.s32 $0x0;
	s21 =	sshll.u32 s5, $0x1;
	s5 =	sadd.s32 s22, s3  }
0x15: {  	[timem:s7], [sflag:s23] =	dma.local [hbm:s5], s21  }
0x16: {  	_ =	swait.ge [sflag:s23], s21  }
0x17: {  	s4 =	ssub.s32 $0x0, s21;
	[sflag:s23] =	ssyncset.done $0x0  }
0x18: {  	[sflag:s23] =	ssyncadd.s32 s4;
	_ =	sdelay $0x1  }
0x19: {  	s24 =	simm.s32 $0x1B8B  }
0x1a: {  	_ =	swait.ge [sflag:s24], $0x1  }
0x1b: {  	[sflag:s24] =	ssyncset.done $0x0  }
0x1c: {  	s26 =	simm.s32 $0x1B8E;
	s25 =	sld [smem:$0x3FFE];
	[sflag:s24] =	ssyncadd.s32 $0xFFFFFFFF  }
0x1d: {  	s27 =	simm.s32 $execute0_lowered;
	[smem:$0x3FD2] =	sst s26  }
0x1e: {  	s5 =	sshll.u32 s27, $0x1;
	_ =	strace $0x80000049;
	[dreg:$0x1] =	wrdreg $0xFFFFFFFF  }
0x1f: {  	s28 =	simm.s32 $_size_execute0_lowered;
	s3 =	sadd.s32 s3, s5;
	[dreg:$0x0] =	wrdreg $0x0  }
0x20: {  	s5 =	sshll.u32 s28, $0x1;
	[dreg:$0x2] =	wrdreg s3  }
0x21: {  	[dreg:$0x3] =	wrdreg s5  }
0x22: {  	[dreg:$0x4] =	wrdreg $0xC0  }
0x23: {  	_ =	task [dreg:s7], $0x5FFFF  }
0x24: {  	[dreg:$0x1] =	wrdreg $0xFFFFFFFF  }
0x25: {  	[dreg:$0x0] =	wrdreg $0x60  }
0x26: {  	[dreg:$0x2] =	wrdreg s25  }
0x27: {  	[dreg:$0x3] =	wrdreg s2  }
0x28: {  	[dreg:$0x4] =	wrdreg $0x9  }
0x29: {  	_ =	task.clear_ibuf [dreg:s7], $0x5FFFF;
	_ =	strace $0x90000049  }
0x2a: {  	s29 =	simm.s32 $0x9;
	_ =	strace $0x8000004B  }
0x2b: {  	_ =	swait.ge [sflag:s29], $0x1  }
0x2c: {  	[sflag:s29] =	ssyncadd.s32 $0xFFFFFFFF  }
0x2d: {  	_ =	strace $0x9000004B  }
0x2e: {  	_ =	sfence  }
0x2f: {  	s30 =	sld [smem:$0x0];
	_ =	sdelay $0x2  }
0x30: {  	s31 =	sshll.u32 s1, $0xD;
	s1 =	sshrl.u32 s1, $0x2  }
0x31: {  	s3 =	sand.u32 $0x4000, s31;
	s1 =	sadd.s32 s1, s30  }
0x32: {  	s0 =	sor.u32 s3, s0;
	s1 =	sshll.u32 s1, $0x11  }
0x33: {  	s0 =	sor.u32 s1, s0  }
0x34: {  	s0 =	sadd.s32 $0x8F2B, s0  }
0x35: {  	[sflag:s0] =	ssyncadd.remote.s32 $0x1  }
0x36: {  	_ =	sfence.sel $0xFFFF  }
0x37: {  	[dreg:$0x0] =	wrdreg $0xFFFFFFFF;
	(pc) =	sbr.abs _section_cstart, $3  }
0x38: {  	[dreg:$0x1] =	wrdreg $0xFFFFFFFF  }
0x39: {  	_ =	task.clear_ibuf [dreg:s7], $0x2FFFF;
	_ =	strace $0x9FFFFFFF  }
0x3a: {  	(tm) =	ssettm $0x7FFFFFFF  }
0x3b: {  	_ =	shalt  }
tec
execute0_lowered:
.L_overlay_start_1:
0x0: {  	(tag) =	ssettag $0x1  }
0x1: {  	s0 =	rddreg [dreg:$0x0]  }
0x2: {  	s1 =	srdreg.scid;
	_ =	strace $0x8000004A;
	s2 =	stileid.u32  }
0x3: {  	s30 =	simm.s32 $0x1;
	s31 =	simm.s32 $0x2;
	s15 =	simm.s32 $0x0  }
0x4: {  	s16 =	simm.s32 $0x0;
	s17 =	simm.s32 $0x0;
	s8 =	simm.s32 $0x0  }
0x5: {  	s10 =	simm.s32 $0x0;
	s12 =	simm.s32 $0x0;
	s11 =	simm.s32 $0x0  }
.Ltmp0:
0x6: {  	s9 =	simm.s32 $0x0;
	s29 =	sshll.u32 s1, $0x4;
	(pc) =	sbr.rel .LBB1_1-.Ltmp0, $4  }
0x7: {  	s6 =	sadd.s32 $0x620800, s0;
	[sflag:s30] =	ssyncpa.u1 $0x0;
	s0 =	sand.u32 $0x10, s29  }
0x8: {  	s20 =	sand.u32 $0x7, s2;
	[dreg:$0x3] =	wrdreg s6;
	s0 =	sor.u32 s2, s0  }
0x9: {  	[sflag:s31] =	ssyncpa.u1 $0x0;
	[dreg:$0x4] =	wrdreg s20;
	s21 =	sshrl.u32 s0, $0x3  }
0xa: {  	s14 =	smov.u32 s20;
	s13 =	smov.u32 s21;
	[dreg:$0x5] =	wrdreg s21  }
.LBB1_9:
0xb: {  	p0 =	sgt.s32 s8, $0x80  }
0xc: {  	s0 =	smov.u32 s8;
	s1 =	sshrl.u32 s8, $0x5;
	s3 =	smul.u32 $0x54000, s12  }
0xd: {  	s27 =	smul.u32 $0x600, s10;
	s4 =	sshrl.u32 s8, $0x3;
	s0 =	simm.s32 @!p0 $0x80  }
0xe: {  	s5 =	rddreg [dreg:$0x1];
	s1 =	sand.u32 $0xFFFFFC, s1;
	s0 =	sadd.s32 s19, s0  }
0xf: {  	s28 =	sand.u32 $0x7, s8;
	s26 =	smulhi.u32 $0x5555556, s1;
	s2 =	sadd.s32 $0xFFFFFF80, s0  }
0x10: {  	s29 =	sor.u32 $0x4000, s20;
	s0 =	ssub.s32 $0x100, s0;
	p0 =	sgt.s32 s2, $0x7F  }
0x11: {  	s6 =	rddreg [dreg:$0x3];
	s2 =	smul.u32 $0x30, s26;
	s0 =	simm.s32 @p0 $0x0  }
0x12: {  	s31 =	simm.s32 $0x800;
	s20 =	rddreg [dreg:$0x4];
	s0 =	smul.u32 s0, s18  }
0x13: {  	s21 =	rddreg [dreg:$0x5];
	s4 =	sand.u32 $0xF, s4;
	s3 =	sadd.s32 s5, s3  }
0x14: {  	s1 =	ssub.s32 s1, s2;
	s2 =	sadd.s32 s27, s3;
	s0 =	smul.u32 $0x30, s0  }
0x15: {  	s3 =	sshll.u32 s28, $0x12;
	s1 =	sshll.u32 s1, $0x5;
	s2 =	sadd.s32 s4, s2  }
0x16: {  	s30 =	sor.u32 $0x400, s3;
	s1 =	sadd.s32 s1, s2;
	s0 =	sand.u32 $0x3FFFFFF0, s0  }
0x17: {  	[hbm4b:s1+s30] =	stream.strided.scatter [tilespmem:s29], [sflag:$0x2], s0, s31, s30, $0x20;
	[tilespmem:$0x8080] =	vst v63  }
.LBB1_10:
0x18: {  	p0 =	slt.u32 s9, $0x2  }
0x19: {  	p1 =	sgt.s32 @!p0 s17, $0x7  }
0x1a: {  	s0 =	smov.u32 s17;
	s1 =	sshra.s32 @!p0 s17, $0x1F;
	p1 =	por !p1, p0  }
0x1b: {  	s2 =	smov.u32 s16;
	s1 =	sand.u32 @!p0 s1, s17;
	s0 =	simm.s32 @p1 $0x7  }
0x1c: {  	s3 =	sshra.s32 @!p0 s16, $0x1F;
	p1 =	sgt.s32 @!p0 s16, $0xDF;
	s0 =	ssub.s32 @!p0 s0, s1  }
0x1d: {  	s4 =	sshra.s32 @!p0 s15, $0x1F;
	p2 =	por !p1, p0;
	s1 =	sadd.s32 @!p0 $0xFFFFFFF9, s0  }
0x1e: {  	s2 =	simm.s32 @p2 $0xDF;
	p1 =	sgt.s32 @!p0 s1, $0x0;
	s1 =	sand.u32 @!p0 s3, s16  }
0x1f: {  	s0 =	ssub.s32 @!p0 $0x8, s0;
	p2 =	sgt.s32 @!p0 s15, $0x80;
	s1 =	ssub.s32 @!p0 s2, s1  }
0x20: {  	p2 =	por !p2, p0;
	s3 =	smov.u32 s15;
	s2 =	sadd.s32 @!p0 $0xFFFFFF21, s1  }
0x21: {  	s3 =	simm.s32 @p2 $0x80;
	p2 =	sgt.s32 @!p0 s2, $0x0;
	s2 =	sand.u32 @!p0 s4, s15  }
0x22: {  	s0 =	smul.u32 @!p0 $0x30, s0;
	p1 =	por !p1, p0;
	s2 =	ssub.s32 @!p0 s3, s2  }
0x23: {  	s1 =	ssub.s32 @!p0 $0xE0, s1;
	p2 =	por !p2, p0;
	s3 =	sadd.s32 @!p0 $0xFFFFFF80, s2  }
0x24: {  	s0 =	simm.s32 @!p1 $0x0;
	s1 =	simm.s32 @!p2 $0x0;
	p2 =	sgt.s32 @!p0 s3, $0x7F  }
0x25: {  	s2 =	ssub.s32 @!p0 $0x100, s2;
	s0 =	smul.u32 @!p0 s1, s0;
	p1 =	por !p2, p0  }
0x26: {  	s1 =	sadd.s32 $0x80, s11;
	s3 =	smov.u32 s13;
	s2 =	simm.s32 @!p1 $0x0  }
0x27: {  	p1 =	sgt.s32 s1, $0xDF;
	s0 =	smul.u32 @!p0 s2, s0;
	s2 =	sadd.s32 $0x4, s13  }
0x28: {  	s3 =	smov.u32 @p1 s2  }
0x29: {  	s5 =	smov.u32 s14;
	s2 =	sadd.s32 $0x8, s14;
	p2 =	sgt.s32 s3, $0xDF  }
0x2a: {  	s9 =	sadd.s32 $0x1, s9;
	s5 =	smov.u32 @p2 s2  }
0x2b: {  	s17 =	smov.u32 s12;
	s1 =	simm.s32 @p1 $0x0;
	p1 =	sgt.s32 s5, $0x7  }
0x2c: {  	s12 =	smov.u32 s14;
	s5 =	smov.u32 @p1 s20;
	p1 =	sne.s32 s9, $0x72  }
.Ltmp1:
0x2d: {  	s16 =	smov.u32 s10;
	s10 =	smov.u32 s13;
	(pc) =	sbr.rel @!p1 .LBB1_11-.Ltmp1, $4  }
0x2e: {  	s4 =	simm.s32 @!p0 $0x2;
	s15 =	smov.u32 s8;
	s0 =	sand.u32 @!p0 $0x3FFFFFF0, s0  }
0x2f: {  	s8 =	smov.u32 s11;
	s11 =	smov.u32 s1;
	_ =	swait.ge @!p0 [sflag:s4], s0  }
0x30: {  	s0 =	ssub.s32 @!p0 $0x0, s0;
	s3 =	smov.u32 @p2 s21;
	[sflag:s4] =	ssyncset.done @!p0 $0x0  }
0x31: {  	s13 =	smov.u32 s3;
	[sflag:s4] =	ssyncadd.s32 @!p0 s0;
	s14 =	smov.u32 s5  }
.LBB1_1:
0x32: {  	p0 =	sgt.u32 s9, $0x6F;
	s2 =	smov.u32 s14  }
0x33: {  	s18 =	smov.u32 s13;
	s0 =	sand.u32 @!p0 $0x1FFFFFF, s11;
	p1 =	sgt.s32 @!p0 s14, $0x7  }
0x34: {  	s7 =	sshra.s32 @!p0 s14, $0x1F;
	s19 =	sshra.s32 @!p0 s13, $0x1F;
	p1 =	por !p1, p0  }
0x35: {  	s1 =	smulhi.u32 @!p0 $0x2492493, s0;
	s2 =	simm.s32 @p1 $0x7;
	p1 =	sgt.s32 @!p0 s13, $0xDF  }
0x36: {  	s7 =	sand.u32 @!p0 s7, s14;
	s19 =	sand.u32 @!p0 s19, s13;
	p1 =	por !p1, p0  }
0x37: {  	s1 =	sshrl.u32 @!p0 s1, $0x1;
	s2 =	ssub.s32 @!p0 s2, s7;
	s18 =	simm.s32 @p1 $0xDF  }
0x38: {  	p1 =	sgt.s32 @!p0 s11, $0x60;
	s2 =	sadd.s32 @!p0 $0xFFFFFFF9, s2;
	s7 =	ssub.s32 @!p0 s18, s19  }
0x39: {  	p1 =	por !p1, p0;
	s19 =	smov.u32 s11;
	s18 =	sadd.s32 @!p0 $0xFFFFFF21, s7  }
0x3a: {  	s19 =	simm.s32 @p1 $0x60;
	p2 =	sgt.s32 @!p0 s18, $0x0;
	s18 =	sshra.s32 @!p0 s11, $0x1F  }
0x3b: {  	p1 =	sgt.s32 @!p0 s2, $0x0;
	s2 =	sshll.u32 @!p0 s2, $0x6;
	s18 =	sand.u32 @!p0 s18, s11  }
0x3c: {  	s7 =	ssub.s32 @!p0 $0xE0, s7;
	s2 =	ssub.s32 @!p0 $0x40, s2;
	s18 =	ssub.s32 @!p0 s19, s18  }
0x3d: {  	p1 =	por !p1, p0;
	p2 =	por !p2, p0;
	s19 =	sadd.s32 @!p0 $0xFFFFFFA0, s18  }
0x3e: {  	s2 =	simm.s32 @!p1 $0x0;
	s7 =	simm.s32 @!p2 $0x0;
	p2 =	sgt.s32 @!p0 s19, $0x7F  }
0x3f: {  	s18 =	ssub.s32 @!p0 $0xE0, s18;
	s2 =	smul.u32 @!p0 s7, s2;
	p1 =	por !p2, p0  }
0x40: {  	s1 =	smul.u32 @!p0 $0xE0, s1;
	s18 =	simm.s32 @!p1 $0x0  }
0x41: {  	s2 =	smul.u32 @!p0 s18, s2  }
0x42: {  	s18 =	smul.u32 @!p0 $0xC4000, s14  }
0x43: {  	s0 =	ssub.s32 @!p0 s0, s1;
	s7 =	sxor.u32 @!p0 $0xFFFFFFFF, s9;
	s19 =	smul.u32 @!p0 $0xE00, s13  }
0x44: {  	s0 =	sshll.u32 @!p0 s0, $0x4;
	s7 =	sshll.u32 @!p0 s7, $0xD;
	s1 =	sadd.s32 @!p0 s6, s18  }
0x45: {  	s7 =	sand.u32 @!p0 $0x2000, s7;
	s2 =	sand.u32 @!p0 $0x3FFFFFC0, s2;
	s1 =	sadd.s32 @!p0 s19, s1  }
0x46: {  	s18 =	simm.s32 @!p0 $0x80;
	s0 =	sadd.s32 @!p0 s0, s1;
	s1 =	simm.s32 @!p0 $0x40  }
0x47: {  	[tilespmem:s7], [sflag:$0x1] =	stream.strided.gather @!p0 [hbm4b:s0+s1], s2, s18, s1, $0x38;
	[tilespmem:$0x8080] =	vst v63  }
0x48: {  	p0 =	seq.s32 s9, $0x0  }
0x49: {  	p1 =	seq.s32 @!p0 s9, $0x71  }
0x4a: {  	p0 =	por p0, p1  }
.Ltmp2:
0x4b: {  	_ = 	snop;
	(pc) =	sbr.rel @p0 .LBB1_10-.Ltmp2, $1  }
0x4c: {  	_ =	sdelay $0x3  }
0x4d: {  	p0 =	sgt.s32 s12, $0x7;
	s0 =	smov.u32 s12;
	s1 =	sshra.s32 s12, $0x1F  }
0x4e: {  	s2 =	sshra.s32 s10, $0x1F;
	s27 =	ssub.s32 $0x0, s8;
	s28 =	sshra.s32 s8, $0x1F  }
0x4f: {  	p1 =	sgt.s32 s8, $0x60;
	s18 =	smov.u32 s8;
	s0 =	simm.s32 @!p0 $0x7  }
0x50: {  	s1 =	sand.u32 s1, s12;
	p0 =	sgt.s32 s10, $0xDF;
	s2 =	sand.u32 s2, s10  }
0x51: {  	s19 =	sand.u32 s27, s28;
	s0 =	ssub.s32 s0, s1;
	s1 =	smov.u32 s10  }
0x52: {  	s18 =	simm.s32 @!p1 $0x60;
	s7 =	sadd.s32 $0xFFFFFFF9, s0;
	s1 =	simm.s32 @!p0 $0xDF  }
0x53: {  	s0 =	ssub.s32 $0x8, s0;
	p0 =	sgt.s32 s7, $0x0;
	s1 =	ssub.s32 s1, s2  }
0x54: {  	s2 =	sadd.s32 s19, s18;
	s20 =	sadd.s32 $0xFFFFFF21, s1;
	s1 =	ssub.s32 $0xE0, s1  }
0x55: {  	s0 =	simm.s32 @p0 $0x0;
	s2 =	sadd.s32 $0xFFFFFFA0, s2;
	p1 =	sgt.s32 s20, $0x0  }
0x56: {  	s29 =	sshll.u32 s2, $0x6;
	p0 =	sgt.s32 s2, $0x7F;
	s1 =	simm.s32 @p1 $0x0  }
0x57: {  	s18 =	smul.u32 s0, s1;
	s0 =	ssub.s32 $0x2000, s29;
	s1 =	sadd.s32 $0x1, s12  }
0x58: {  	s2 =	sadd.s32 $0x1, s10;
	s0 =	simm.s32 @p0 $0x0;
	p0 =	slt.s32 s1, $0x8  }
0x59: {  	s1 =	simm.s32 @!p0 $0x8;
	p0 =	slt.s32 s2, $0xE0  }
0x5a: {  	s21 =	ssub.s32 s1, s12;
	s2 =	simm.s32 @!p0 $0xE0;
	s1 =	sadd.s32 $0x80, s8  }
0x5b: {  	s22 =	ssub.s32 s2, s10;
	p1 =	slt.s32 s1, $0xE0;
	p0 =	slt.s32 s21, $0x1  }
0x5c: {  	s1 =	simm.s32 @!p1 $0xE0;
	p1 =	slt.s32 @!p0 s22, $0x1  }
0x5d: {  	s23 =	ssub.s32 s1, s8;
	p1 =	por p0, p1  }
0x5e: {  	p2 =	slt.s32 @!p1 s23, $0x1  }
0x5f: {  	s0 =	smul.u32 s18, s0;
	p1 =	por p1, p2  }
.Ltmp3:
0x60: {  	_ = 	snop;
	(pc) =	sbr.rel @p1 .LBB1_9-.Ltmp3, $4  }
0x61: {  	s3 =	simm.s32 $0x1;
	s30 =	sand.u32 $0x3FFFFFC0, s0  }
0x62: {  	_ =	swait.ge [sflag:s3], s30  }
0x63: {  	s0 =	sand.u32 $0x1, s9;
	s31 =	ssub.s32 $0x0, s30;
	[sflag:s3] =	ssyncset.done $0x0  }
0x64: {  	s20 =	smul.u32 $0x2040, s0;
	[sflag:s3] =	ssyncadd.s32 s31  }
0x65: {  	_ = 	snop  }
0x66: {  	s24 =	sshll.u32 @!p0 s0, $0xD;
	s26 =	simm.s32 $0x0;
	s25 =	sor.u32 @!p0 $0x4000, s20  }
.LBB1_4:
0x67: {  	s27 =	simm.s32 $0x0  }
.LBB1_5:
0x68: {  	s0 =	sadd.s32 s26, s27  }
0x69: {  	s1 =	sshll.u32 s0, $0xF  }
0x6a: {  	s1 =	sshra.s32 s1, $0x2  }
0x6b: {  	s1 =	sadd.s32 s1, s24  }
0x6c: {  	s0 =	smul.u32 $0x8100, s0;
	v0 =	vmov s1  }
0x6d: {  	s3 =	simm.s32 $0x0;
	s29 =	simm.s32 $0x0  }
0x6e: {  	s5 =	simm.s32 $0x10;
	s4 =	sand.u32 $0x38, s3;
	s0 =	sshra.s32 s0, $0x2  }
0x6f: {  	s2 =	smul.u32 $0x204, s4;
	s28 =	sadd.s32 s0, s25;
	s0 =	sxor.u32 $0x20, s4  }
0x70: {  	p0 =	sne.s32 s23, $0x1;
	s7 =	sand.u32 $0x1FC0, s29;
	s0 =	smul.u32 $0x204, s0  }
.Ltmp4:
0x71: {  	s1 =	sand.u32 $0x38, s5;
	v3 =	vld.idx.msk [tilespmem:v0+s7+$0x20 ss:$0x1], $0xffff;
	(pc) =	sbr.rel @!p0 .LBB1_7-.Ltmp4, $4  }
0x72: {  	s30 =	simm.s32 $0x1;
	s4 =	smul.u32 $0x204, s1  }
0x73: {  	s31 =	sand.u32 $0x7F, s29;
	s2 =	sshrl.u32 s2, $0x2;
	s0 =	sshrl.u32 s0, $0x2  }
0x74: {  	s1 =	sadd.s32 s2, s28;
	s6 =	sshrl.u32 s4, $0x2;
	s0 =	sadd.s32 s0, s28;
	v1 =	vld.idx.msk [tilespmem:v0+s7+$0x0 ss:$0x1], $0xffff  }
0x75: {  	s2 =	sadd.s32 s6, s28;
	v2 =	vld.idx.msk [tilespmem:v0+s7+$0x10 ss:$0x1], $0xffff;
	s7 =	sadd.s32 s31, s0;
	s0 =	simm.s32 $0x808  }
.LBB1_6:
0x76: {  	s4 =	sadd.s32 $0xFFFFF800, s0;
	s3 =	sshrl.u32 s0, $0x7;
	[tilespmem:s7+$0x0 ss:$0x81] =	vst.msk $0xffff, v3;
	s7 =	smov.u32 s30  }
0x77: {  	s30 =	sadd.s32 $0x1, s30;
	s29 =	sadd.s32 $0x40, s29;
	s4 =	sshrl.u32 s4, $0x7  }
0x78: {  	p0 =	sne.s32 s23, s30;
	s5 =	sand.u32 $0x1FC0, s29;
	s4 =	sand.u32 $0x38, s4  }
0x79: {  	s3 =	sand.u32 $0x38, s3;
	s6 =	smul.u32 $0x204, s4;
	s4 =	sxor.u32 $0x20, s4  }
0x7a: {  	s1 =	sadd.s32 s31, s1;
	v3 =	vld.idx.msk [tilespmem:v0+s5+$0x20 ss:$0x1], $0xffff;
	s4 =	smul.u32 $0x204, s4  }
.Ltmp5:
0x7b: {  	[tilespmem:s1+$0x0 ss:$0x81] =	vst.msk $0xffff, v1;
	v1 =	vld.idx.msk [tilespmem:v0+s5+$0x0 ss:$0x1], $0xffff;
	s1 =	sadd.s32 s31, s2;
	(pc) =	sbr.rel @p0 .LBB1_6-.Ltmp5, $4  }
0x7c: {  	s3 =	smul.u32 $0x204, s3;
	s2 =	sshrl.u32 s6, $0x2;
	[tilespmem:s1+$0x0 ss:$0x81] =	vst.msk $0xffff, v2;
	v2 =	vld.idx.msk [tilespmem:v0+s5+$0x10 ss:$0x1], $0xffff  }
0x7d: {  	s1 =	sadd.s32 s2, s28;
	s2 =	sshrl.u32 s4, $0x2  }
0x7e: {  	s31 =	sand.u32 $0x7F, s7;
	s3 =	sshrl.u32 s3, $0x2;
	s4 =	sadd.s32 s2, s28  }
0x7f: {  	s0 =	sadd.s32 $0x8, s0;
	s2 =	sadd.s32 s3, s28;
	s7 =	sadd.s32 s31, s4  }
.LBB1_7:
0x80: {  	s27 =	sadd.s32 $0x1, s27  }
0x81: {  	p0 =	sne.s32 s27, s22  }
.Ltmp6:
0x82: {  	_ = 	snop;
	(pc) =	sbr.rel @p0 .LBB1_5-.Ltmp6, $4  }
0x83: {  	_ = 	snop  }
0x84: {  	[tilespmem:s7+$0x0 ss:$0x81] =	vst.msk $0xffff, v3;
	s0 =	sadd.s32 s31, s1  }
0x85: {  	s31 =	sadd.s32 s31, s2;
	[tilespmem:s0+$0x0 ss:$0x81] =	vst.msk $0xffff, v1  }
0x86: {  	[tilespmem:s31+$0x0 ss:$0x81] =	vst.msk $0xffff, v2  }
0x87: {  	s26 =	sadd.s32 $0x1, s26  }
0x88: {  	p0 =	sne.s32 s26, s21  }
.Ltmp7:
0x89: {  	_ = 	snop;
	(pc) =	sbr.rel @p0 .LBB1_4-.Ltmp7, $4  }
.Ltmp8:
0x8a: {  	_ = 	snop;
	(pc) =	sbr.rel @!p0 .LBB1_9-.Ltmp8, $4  }
0x8b: {  	_ = 	snop  }
0x8c: {  	_ = 	snop  }
0x8d: {  	_ = 	snop  }
0x8e: {  	_ = 	snop  }
.LBB1_11:
0x8f: {  	_ =	sfence.sel $0x180000  }
0x90: {  	s0 =	simm.s32 $0x1;
	[bflag:$0x0] =	sbarrier.arrive $0xFFFF  }
0x91: {  	s30 =	simm.s32 $0x2;
	[sflag:s0] =	ssyncpa.u1 $0x1  }
0x92: {  	[sflag:s30] =	ssyncpa.u1 $0x1  }
0x93: {  	_ =	strace $0x9000004A  }
0x94: {  	s31 =	stileid.u32;
	[bflag:$0x2] =	sbarrier.arrive $0xFFFF  }
0x95: {  	p0 =	sne.s32 s31, $0x0;
	s0 =	rddreg [dreg:$0x2]  }
0x96: {  	s0 =	sadd.s32 @!p0 $0x100000, s0  }
0x97: {  	[sflag:s0] =	ssyncadd.tile.s32 @!p0 $0x1;
	_ =	shalt  }
.Lfunc_end1:
_tile_overlayer_lowered:
.L_overlay_start_2:
0x98: {  	(tag) =	ssettag $0x2  }
0x99: {  	s0 =	rddreg [dreg:$0x0];
	s2 =	stileid.u32  }
0x9a: {  	s1 =	rddreg [dreg:$0x1];
	p0 =	sne.s32 s2, $0x0  }
0x9b: {  	s3 =	rddreg [dreg:$0x2];
	[bflag:$0x3] =	sbarrier.arrive $0xFFFF;
	s2 =	simm.s32 @!p0 $0x1C01  }
0x9c: {  	[timem:s3], [sflag:s2] =	dma.local @!p0 [hbm:s0], s1  }
0x9d: {  	s0 =	simm.s32 @!p0 $0x1  }
0x9e: {  	_ =	swait.ge @!p0 [sflag:s0], s1  }
0x9f: {  	s1 =	ssub.s32 @!p0 $0x0, s1;
	[sflag:s0] =	ssyncset.done @!p0 $0x0  }
0xa0: {  	[sflag:s0] =	ssyncadd.s32 @!p0 s1  }
0xa1: {  	[bflag:$0x3] =	sbarrier.arrive $0xFFFF  }
0xa2: {  	_ =	shalt  }

</sc_bundles>
